<compile_context>
chip_gen: v7x
topology: tpu7x:2x2x1
jax: 0.10.2.dev20260603
libtpu: 0.0.44.dev20260713+nightly
codegen_flags: <defaults>
</compile_context>

<pallas_src>
import functools

import jax
import jax.numpy as jnp
from jax import lax
from jax.experimental import pallas as pl
from jax.experimental.pallas import tpu as pltpu
from jax.experimental.pallas import tpu_sc as plsc

_LANES = 16


def _make_tc_transpose(V, D, TB=32768):
    H = TB // 2
    n_blk = (V + TB - 1) // TB
    Vp = n_blk * TB

    def body(x_ref, o_ref):
        xt = x_ref[...].T
        o_ref[...] = jnp.concatenate([xt[:H], xt[H:]], axis=1)

    return pl.pallas_call(
        body,
        grid=(n_blk,),
        in_specs=[pl.BlockSpec((D, TB), lambda j: (0, j))],
        out_specs=pl.BlockSpec((H, 2 * D), lambda j: (j, 0)),
        out_shape=jax.ShapeDtypeStruct((Vp // 2, 2 * D), jnp.float32),
        compiler_params=pltpu.CompilerParams(
            dimension_semantics=("parallel",),
            vmem_limit_bytes=100 * 1024 * 1024),
    ), Vp


def _row64_map(v, TB=32768):
    H = TB // 2
    return (v // TB) * TB + 2 * (v % H) + (v % TB) // H


def _make_gather_kernel(B, L, D, V):
    info = plsc.get_sparse_core_info()
    NC, NS = info.num_cores, info.num_subcores
    NW = NC * NS
    assert B % NW == 0
    b_per_w = B // NW
    n_d = D // _LANES
    half = L // 2
    OUT = 3 * D

    mesh = plsc.VectorSubcoreMesh(core_axis_name="c", subcore_axis_name="s")

    @functools.partial(
        pl.kernel,
        mesh=mesh,
        compiler_params=pltpu.CompilerParams(use_tc_tiling_on_sc=False),
        out_type=jax.ShapeDtypeStruct((B, OUT), jnp.float32),
        scratch_types=[
            pltpu.VMEM((b_per_w, 2, half), jnp.int32),
            pltpu.VMEM((2, L, D), jnp.float32),
            pltpu.VMEM((b_per_w, OUT), jnp.float32),
            pltpu.SemaphoreType.DMA,
            pltpu.SemaphoreType.DMA,
        ],
    )
    def k(tok_hbm, table_hbm, out_hbm, idx_v, rows_v, out_v, sem0, sem1):
        wid = lax.axis_index("s") * NC + lax.axis_index("c")
        base = wid * b_per_w

        pltpu.sync_copy(tok_hbm.at[pl.ds(base, b_per_w)], idx_v)

        inv1 = 1.0 / L
        inv2 = 1.0 / (L - 1)
        inv3 = 1.0 / (L - 2)

        def issue(i, b, sem):
            pltpu.async_copy(
                table_hbm.at[idx_v.at[i, 0]], rows_v.at[b, pl.ds(0, half)], sem)
            pltpu.async_copy(
                table_hbm.at[idx_v.at[i, 1]], rows_v.at[b, pl.ds(half, half)], sem)

        def drain(b, sem):
            for s in range(2):
                pltpu.make_async_copy(
                    table_hbm.at[idx_v.at[0, 0]],
                    rows_v.at[b, pl.ds(s * half, half)], sem).wait()

        def compute(i, b):
            def step(l, carry):
                new = []
                for c in range(n_d):
                    e_prev, pair_prev, a1, a2, a3 = carry[5 * c:5 * c + 5]
                    e = rows_v[b, l, pl.ds(c * _LANES, _LANES)]
                    pair = e_prev * e
                    trip = pair_prev * e
                    new.extend((e, pair, a1 + e, a2 + pair, a3 + trip))
                return tuple(new)

            zeros = jnp.zeros((_LANES,), jnp.float32)
            carry = tuple(zeros for _ in range(5 * n_d))
            carry = lax.fori_loop(0, L, step, carry, unroll=8)
            for c in range(n_d):
                _, _, a1, a2, a3 = carry[5 * c:5 * c + 5]
                out_v[i, pl.ds(c * _LANES, _LANES)] = a1 * inv1
                out_v[i, pl.ds(D + c * _LANES, _LANES)] = a2 * inv2
                out_v[i, pl.ds(2 * D + c * _LANES, _LANES)] = a3 * inv3

        issue(0, 0, sem0)

        def pair_body(j, _):
            i0 = 2 * j
            issue(i0 + 1, 1, sem1)
            drain(0, sem0)
            compute(i0, 0)

            @pl.when(i0 + 2 < b_per_w)
            def _():
                issue(i0 + 2, 0, sem0)

            drain(1, sem1)
            compute(i0 + 1, 1)
            return None

        lax.fori_loop(0, b_per_w // 2, pair_body, None)

        pltpu.sync_copy(out_v, out_hbm.at[pl.ds(base, b_per_w)])

    return k


def kernel(token_ids, table):
    B, L = token_ids.shape
    V, D = table.shape
    tok_m = _row64_map(token_ids.astype(jnp.int32))
    tok3 = tok_m.reshape(B, 2, L // 2)
    tk, Vp = _make_tc_transpose(V, D)
    table_rm = tk(table.T).reshape(Vp, D)
    gk = _make_gather_kernel(B, L, D, Vp)
    return gk(tok3, table_rm)

# --- scband reference (transcript-rebuilt; emitter-appended) ---
"""Pipeline reference for scband-disc-embedding-1331439862288 (READ-ONLY COPY).

The authoritative reference and input builder live on the scoring server;
editing this copy changes nothing except your own understanding.
"""

import jax, jax.numpy as jnp
import numpy as np

VOCAB = 1000000
EMB_DIM = 64
NGRAM = 3
BATCH = 4096
SEQ_LEN = 200


def setup_inputs(seed: int = 0) -> dict:
    key = jax.random.key(seed)
    k_idx, k_tab = jax.random.split(key)
    # batch_text tokenized into token ids; -1 (OOV) entries already filtered,
    # so all ids are valid rows of the embedding table.
    token_ids = jax.random.randint(k_idx, (BATCH, SEQ_LEN), 0, VOCAB)
    # frozen pretrained embedding table (nn.Embedding.from_pretrained)
    table = jax.random.normal(k_tab, (VOCAB, EMB_DIM), dtype=jnp.float32) * 0.02
    return {"token_ids": token_ids, "table": table}


def reference(token_ids, table):
    # embs: [B, L, D] -- the memory-bound gather over a 1M-row table
    embs = jnp.take(table, token_ids, axis=0)
    L = token_ids.shape[1]
    outs = []
    for n in range(1, NGRAM + 1):
        num_windows = L - n + 1
        # product of embeddings of the n tokens in each sliding window
        prod = embs[:, :num_windows, :]
        for i in range(1, n):
            prod = prod * embs[:, i:num_windows + i, :]
        # sum over all ngrams, divide by (i + 1) == number of ngrams
        ngram_emb = jnp.sum(prod, axis=1) / num_windows
        outs.append(ngram_emb)
    # out[:, emb_dim*(n-1):emb_dim*n] = ngram_emb  -> concat along feature dim
    return jnp.concatenate(outs, axis=-1)  # [B, NGRAM * EMB_DIM]

if __name__ == "__main__":
    import jax
    _d = setup_inputs()
    print(jax.jit(kernel)(*tuple(_d.values())))

</pallas_src>

<mosaic_0001>
#map = affine_map<(d0, d1) -> (0, 0, 0)>
#map1 = affine_map<(d0, d1) -> (0, 0)>
module attributes {stable_mosaic.version = 14 : i64} {
  func.func @k(%arg0: i32, %arg1: i32, %arg2: memref<4096x2x100xi32, #tpu.memory_space<hbm>>, %arg3: memref<1015808x64xf32, #tpu.memory_space<hbm>>, %arg4: memref<4096x192xf32, #tpu.memory_space<hbm>>, %arg5: memref<128x2x100xi32, #tpu.memory_space<vmem>>, %arg6: memref<2x200x64xf32, #tpu.memory_space<vmem>>, %arg7: memref<128x192xf32, #tpu.memory_space<vmem>>, %arg8: memref<!tpu.dma_semaphore, #tpu.memory_space<semaphore_mem>>, %arg9: memref<!tpu.dma_semaphore, #tpu.memory_space<semaphore_mem>>) attributes {dimension_semantics = [#tpu.dimension_semantics<core_parallel>, #tpu.dimension_semantics<subcore_parallel>], iteration_bounds = array<i64: 2, 16>, scalar_prefetch = 0 : i64, scratch_operands = 5 : i64, tpu.core_type = #tpu.core_type<sc_vector_subcore>, window_params = [{transform_indices = #map}, {transform_indices = #map1}, {transform_indices = #map1}]} {
    %mul3A = arith.constant 2 : i32
    %mul3A_0 = arith.muli %arg1, %mul3A : i32
    %add3A = arith.addi %mul3A_0, %arg0 : i32
    %mul3A_1 = arith.constant 128 : i32
    %mul3A_2 = arith.muli %add3A, %mul3A_1 : i32
    "tpu.region"() ({
      %run_scoped3A = tpu.sem_alloc : memref<!tpu.dma_semaphore, #tpu.memory_space<semaphore_mem>>
      %dma_start3A_32 = arith.constant 0 : i32
      %dma_start3A_33 = arith.constant 0 : i32
      %dma_start3A_34 = tpu.memref_slice %arg2[%mul3A_2, %dma_start3A_32, %dma_start3A_33] : memref<4096x2x100xi32, #tpu.memory_space<hbm>> -> memref<128x2x100xi32, #tpu.memory_space<hbm>>
      %dma_start3A_35 = arith.constant 0 : i32
      %dma_start3A_36 = arith.constant 0 : i32
      %dma_start3A_37 = tpu.memref_slice %arg2[%mul3A_2, %dma_start3A_35, %dma_start3A_36] : memref<4096x2x100xi32, #tpu.memory_space<hbm>> -> memref<128x2x100xi32, #tpu.memory_space<hbm>>
      tpu.enqueue_dma source(%dma_start3A_37 : memref<128x2x100xi32, #tpu.memory_space<hbm>>) target(%arg5 : memref<128x2x100xi32, #tpu.memory_space<vmem>>) target_semaphore(%run_scoped3A : memref<!tpu.dma_semaphore, #tpu.memory_space<semaphore_mem>>)
      %dma_wait3A = arith.constant 0 : i32
      %dma_wait3A_38 = arith.constant 0 : i32
      %dma_wait3A_39 = tpu.memref_slice %arg2[%mul3A_2, %dma_wait3A, %dma_wait3A_38] : memref<4096x2x100xi32, #tpu.memory_space<hbm>> -> memref<128x2x100xi32, #tpu.memory_space<hbm>>
      %dma_wait3A_40 = arith.constant 0 : i32
      %dma_wait3A_41 = arith.constant 0 : i32
      %dma_wait3A_42 = tpu.memref_slice %arg2[%mul3A_2, %dma_wait3A_40, %dma_wait3A_41] : memref<4096x2x100xi32, #tpu.memory_space<hbm>> -> memref<128x2x100xi32, #tpu.memory_space<hbm>>
      tpu.wait_dma2 semaphore(%run_scoped3A : memref<!tpu.dma_semaphore, #tpu.memory_space<semaphore_mem>>) src(%dma_wait3A_42 : memref<128x2x100xi32, #tpu.memory_space<hbm>>) dst(%arg5 : memref<128x2x100xi32, #tpu.memory_space<vmem>>)
      tpu.yield
    }) : () -> ()
    %dma_start3A = arith.constant 0 : i32
    %dma_start3A_3 = arith.constant 0 : i32
    %dma_start3A_4 = arith.constant 0 : i32
    %dma_start3A_5 = arith.constant 0 : i32
    %dma_start3A_6 = arith.constant 0 : i32
    %dma_start3A_7 = tpu.memref_slice %arg6[%dma_start3A_4, %dma_start3A_5, %dma_start3A_6] : memref<2x200x64xf32, #tpu.memory_space<vmem>> -> memref<1x100x64xf32, #tpu.memory_space<vmem>>
    %dma_start3A_8 = tpu.memref_squeeze %dma_start3A_7 : memref<1x100x64xf32, #tpu.memory_space<vmem>> -> memref<100x64xf32, #tpu.memory_space<vmem>>
    %dma_start3A_9 = arith.constant 0 : i32
    %dma_start3A_10 = tpu.memref_slice %arg5[%dma_start3A, %dma_start3A_3, %dma_start3A_9] : memref<128x2x100xi32, #tpu.memory_space<vmem>> -> memref<1x1x100xi32, #tpu.memory_space<vmem>>
    %dma_start3A_11 = tpu.memref_squeeze %dma_start3A_10 : memref<1x1x100xi32, #tpu.memory_space<vmem>> -> memref<100xi32, #tpu.memory_space<vmem>>
    %dma_start3A_12 = arith.constant 0 : i32
    %dma_start3A_13 = arith.constant 0 : i32
    %dma_start3A_14 = tpu.memref_slice %arg3[%dma_start3A_12, %dma_start3A_13] : memref<1015808x64xf32, #tpu.memory_space<hbm>> -> memref<1015808x64xf32, #tpu.memory_space<hbm>>
    tpu.enqueue_indirect_dma source(%dma_start3A_14 : memref<1015808x64xf32, #tpu.memory_space<hbm>>) target(%dma_start3A_8 : memref<100x64xf32, #tpu.memory_space<vmem>>) offsets(%dma_start3A_11 : memref<100xi32, #tpu.memory_space<vmem>>) semaphore(%arg8 : memref<!tpu.dma_semaphore, #tpu.memory_space<semaphore_mem>>)
    %dma_start3A_15 = arith.constant 0 : i32
    %dma_start3A_16 = arith.constant 1 : i32
    %dma_start3A_17 = arith.constant 0 : i32
    %dma_start3A_18 = arith.constant 100 : i32
    %dma_start3A_19 = arith.constant 0 : i32
    %dma_start3A_20 = tpu.memref_slice %arg6[%dma_start3A_17, %dma_start3A_18, %dma_start3A_19] : memref<2x200x64xf32, #tpu.memory_space<vmem>> -> memref<1x100x64xf32, #tpu.memory_space<vmem>>
    %dma_start3A_21 = tpu.memref_squeeze %dma_start3A_20 : memref<1x100x64xf32, #tpu.memory_space<vmem>> -> memref<100x64xf32, #tpu.memory_space<vmem>>
    %dma_start3A_22 = arith.constant 0 : i32
    %dma_start3A_23 = tpu.memref_slice %arg5[%dma_start3A_15, %dma_start3A_16, %dma_start3A_22] : memref<128x2x100xi32, #tpu.memory_space<vmem>> -> memref<1x1x100xi32, #tpu.memory_space<vmem>>
    %dma_start3A_24 = tpu.memref_squeeze %dma_start3A_23 : memref<1x1x100xi32, #tpu.memory_space<vmem>> -> memref<100xi32, #tpu.memory_space<vmem>>
    %dma_start3A_25 = arith.constant 0 : i32
    %dma_start3A_26 = arith.constant 0 : i32
    %dma_start3A_27 = tpu.memref_slice %arg3[%dma_start3A_25, %dma_start3A_26] : memref<1015808x64xf32, #tpu.memory_space<hbm>> -> memref<1015808x64xf32, #tpu.memory_space<hbm>>
    tpu.enqueue_indirect_dma source(%dma_start3A_27 : memref<1015808x64xf32, #tpu.memory_space<hbm>>) target(%dma_start3A_21 : memref<100x64xf32, #tpu.memory_space<vmem>>) offsets(%dma_start3A_24 : memref<100xi32, #tpu.memory_space<vmem>>) semaphore(%arg8 : memref<!tpu.dma_semaphore, #tpu.memory_space<semaphore_mem>>)
    %scan3A = arith.constant 0 : i32
    %scan3A_28 = arith.constant 64 : i32
    %scan3A_29 = arith.addi %scan3A, %scan3A_28 : i32
    %scan3A_30 = arith.constant 1 : i32
    scf.for %scan3A_32 = %scan3A to %scan3A_29 step %scan3A_30  : i32 {
      %mul3A_33 = arith.constant 2 : i32
      %mul3A_34 = arith.muli %mul3A_33, %scan3A_32 : i32
      %add3A_35 = arith.constant 1 : i32
      %add3A_36 = arith.addi %mul3A_34, %add3A_35 : i32
      %dma_start3A_37 = arith.constant 0 : i32
      %dma_start3A_38 = arith.constant 1 : i32
      %dma_start3A_39 = arith.constant 0 : i32
      %dma_start3A_40 = arith.constant 0 : i32
      %dma_start3A_41 = tpu.memref_slice %arg6[%dma_start3A_38, %dma_start3A_39, %dma_start3A_40] : memref<2x200x64xf32, #tpu.memory_space<vmem>> -> memref<1x100x64xf32, #tpu.memory_space<vmem>>
      %dma_start3A_42 = tpu.memref_squeeze %dma_start3A_41 : memref<1x100x64xf32, #tpu.memory_space<vmem>> -> memref<100x64xf32, #tpu.memory_space<vmem>>
      %dma_start3A_43 = arith.constant 0 : i32
      %dma_start3A_44 = tpu.memref_slice %arg5[%add3A_36, %dma_start3A_37, %dma_start3A_43] : memref<128x2x100xi32, #tpu.memory_space<vmem>> -> memref<1x1x100xi32, #tpu.memory_space<vmem>>
      %dma_start3A_45 = tpu.memref_squeeze %dma_start3A_44 : memref<1x1x100xi32, #tpu.memory_space<vmem>> -> memref<100xi32, #tpu.memory_space<vmem>>
      %dma_start3A_46 = arith.constant 0 : i32
      %dma_start3A_47 = arith.constant 0 : i32
      %dma_start3A_48 = tpu.memref_slice %arg3[%dma_start3A_46, %dma_start3A_47] : memref<1015808x64xf32, #tpu.memory_space<hbm>> -> memref<1015808x64xf32, #tpu.memory_space<hbm>>
      tpu.enqueue_indirect_dma source(%dma_start3A_48 : memref<1015808x64xf32, #tpu.memory_space<hbm>>) target(%dma_start3A_42 : memref<100x64xf32, #tpu.memory_space<vmem>>) offsets(%dma_start3A_45 : memref<100xi32, #tpu.memory_space<vmem>>) semaphore(%arg9 : memref<!tpu.dma_semaphore, #tpu.memory_space<semaphore_mem>>)
      %dma_start3A_49 = arith.constant 1 : i32
      %dma_start3A_50 = arith.constant 1 : i32
      %dma_start3A_51 = arith.constant 100 : i32
      %dma_start3A_52 = arith.constant 0 : i32
      %dma_start3A_53 = tpu.memref_slice %arg6[%dma_start3A_50, %dma_start3A_51, %dma_start3A_52] : memref<2x200x64xf32, #tpu.memory_space<vmem>> -> memref<1x100x64xf32, #tpu.memory_space<vmem>>
      %dma_start3A_54 = tpu.memref_squeeze %dma_start3A_53 : memref<1x100x64xf32, #tpu.memory_space<vmem>> -> memref<100x64xf32, #tpu.memory_space<vmem>>
      %dma_start3A_55 = arith.constant 0 : i32
      %dma_start3A_56 = tpu.memref_slice %arg5[%add3A_36, %dma_start3A_49, %dma_start3A_55] : memref<128x2x100xi32, #tpu.memory_space<vmem>> -> memref<1x1x100xi32, #tpu.memory_space<vmem>>
      %dma_start3A_57 = tpu.memref_squeeze %dma_start3A_56 : memref<1x1x100xi32, #tpu.memory_space<vmem>> -> memref<100xi32, #tpu.memory_space<vmem>>
      %dma_start3A_58 = arith.constant 0 : i32
      %dma_start3A_59 = arith.constant 0 : i32
      %dma_start3A_60 = tpu.memref_slice %arg3[%dma_start3A_58, %dma_start3A_59] : memref<1015808x64xf32, #tpu.memory_space<hbm>> -> memref<1015808x64xf32, #tpu.memory_space<hbm>>
      tpu.enqueue_indirect_dma source(%dma_start3A_60 : memref<1015808x64xf32, #tpu.memory_space<hbm>>) target(%dma_start3A_54 : memref<100x64xf32, #tpu.memory_space<vmem>>) offsets(%dma_start3A_57 : memref<100xi32, #tpu.memory_space<vmem>>) semaphore(%arg9 : memref<!tpu.dma_semaphore, #tpu.memory_space<semaphore_mem>>)
      %dma_wait3A = arith.constant 0 : i32
      %dma_wait3A_61 = arith.constant 0 : i32
      %dma_wait3A_62 = arith.constant 0 : i32
      %dma_wait3A_63 = arith.constant 0 : i32
      %dma_wait3A_64 = arith.constant 0 : i32
      %dma_wait3A_65 = tpu.memref_slice %arg6[%dma_wait3A_62, %dma_wait3A_63, %dma_wait3A_64] : memref<2x200x64xf32, #tpu.memory_space<vmem>> -> memref<1x100x64xf32, #tpu.memory_space<vmem>>
      %dma_wait3A_66 = tpu.memref_squeeze %dma_wait3A_65 : memref<1x100x64xf32, #tpu.memory_space<vmem>> -> memref<100x64xf32, #tpu.memory_space<vmem>>
      %dma_wait3A_67 = arith.constant 0 : i32
      %dma_wait3A_68 = tpu.memref_slice %arg5[%dma_wait3A, %dma_wait3A_61, %dma_wait3A_67] : memref<128x2x100xi32, #tpu.memory_space<vmem>> -> memref<1x1x100xi32, #tpu.memory_space<vmem>>
      %dma_wait3A_69 = tpu.memref_squeeze %dma_wait3A_68 : memref<1x1x100xi32, #tpu.memory_space<vmem>> -> memref<100xi32, #tpu.memory_space<vmem>>
      %dma_wait3A_70 = arith.constant 0 : i32
      %dma_wait3A_71 = arith.constant 0 : i32
      %dma_wait3A_72 = tpu.memref_slice %arg3[%dma_wait3A_70, %dma_wait3A_71] : memref<1015808x64xf32, #tpu.memory_space<hbm>> -> memref<1015808x64xf32, #tpu.memory_space<hbm>>
      tpu.wait_indirect_dma semaphore(%arg8 : memref<!tpu.dma_semaphore, #tpu.memory_space<semaphore_mem>>) src(%dma_wait3A_72 : memref<1015808x64xf32, #tpu.memory_space<hbm>>) dst(%dma_wait3A_66 : memref<100x64xf32, #tpu.memory_space<vmem>>)
      %dma_wait3A_73 = arith.constant 0 : i32
      %dma_wait3A_74 = arith.constant 0 : i32
      %dma_wait3A_75 = arith.constant 0 : i32
      %dma_wait3A_76 = arith.constant 100 : i32
      %dma_wait3A_77 = arith.constant 0 : i32
      %dma_wait3A_78 = tpu.memref_slice %arg6[%dma_wait3A_75, %dma_wait3A_76, %dma_wait3A_77] : memref<2x200x64xf32, #tpu.memory_space<vmem>> -> memref<1x100x64xf32, #tpu.memory_space<vmem>>
      %dma_wait3A_79 = tpu.memref_squeeze %dma_wait3A_78 : memref<1x100x64xf32, #tpu.memory_space<vmem>> -> memref<100x64xf32, #tpu.memory_space<vmem>>
      %dma_wait3A_80 = arith.constant 0 : i32
      %dma_wait3A_81 = tpu.memref_slice %arg5[%dma_wait3A_73, %dma_wait3A_74, %dma_wait3A_80] : memref<128x2x100xi32, #tpu.memory_space<vmem>> -> memref<1x1x100xi32, #tpu.memory_space<vmem>>
      %dma_wait3A_82 = tpu.memref_squeeze %dma_wait3A_81 : memref<1x1x100xi32, #tpu.memory_space<vmem>> -> memref<100xi32, #tpu.memory_space<vmem>>
      %dma_wait3A_83 = arith.constant 0 : i32
      %dma_wait3A_84 = arith.constant 0 : i32
      %dma_wait3A_85 = tpu.memref_slice %arg3[%dma_wait3A_83, %dma_wait3A_84] : memref<1015808x64xf32, #tpu.memory_space<hbm>> -> memref<1015808x64xf32, #tpu.memory_space<hbm>>
      tpu.wait_indirect_dma semaphore(%arg8 : memref<!tpu.dma_semaphore, #tpu.memory_space<semaphore_mem>>) src(%dma_wait3A_85 : memref<1015808x64xf32, #tpu.memory_space<hbm>>) dst(%dma_wait3A_79 : memref<100x64xf32, #tpu.memory_space<vmem>>)
      %broadcast_in_dim3A = arith.constant 0.000000e+00 : f32
      %broadcast_in_dim3A_86 = vector.broadcast %broadcast_in_dim3A : f32 to vector<16xf32>
      %scan3A_87 = arith.constant 0 : i32
      %scan3A_88 = arith.constant 200 : i32
      %scan3A_89 = arith.addi %scan3A_87, %scan3A_88 : i32
      %scan3A_90 = arith.constant 8 : i32
      %scan3A_91:20 = scf.for %scan3A_324 = %scan3A_87 to %scan3A_89 step %scan3A_90 iter_args(%scan3A_325 = %broadcast_in_dim3A_86, %scan3A_326 = %broadcast_in_dim3A_86, %scan3A_327 = %broadcast_in_dim3A_86, %scan3A_328 = %broadcast_in_dim3A_86, %scan3A_329 = %broadcast_in_dim3A_86, %scan3A_330 = %broadcast_in_dim3A_86, %scan3A_331 = %broadcast_in_dim3A_86, %scan3A_332 = %broadcast_in_dim3A_86, %scan3A_333 = %broadcast_in_dim3A_86, %scan3A_334 = %broadcast_in_dim3A_86, %scan3A_335 = %broadcast_in_dim3A_86, %scan3A_336 = %broadcast_in_dim3A_86, %scan3A_337 = %broadcast_in_dim3A_86, %scan3A_338 = %broadcast_in_dim3A_86, %scan3A_339 = %broadcast_in_dim3A_86, %scan3A_340 = %broadcast_in_dim3A_86, %scan3A_341 = %broadcast_in_dim3A_86, %scan3A_342 = %broadcast_in_dim3A_86, %scan3A_343 = %broadcast_in_dim3A_86, %scan3A_344 = %broadcast_in_dim3A_86) -> (vector<16xf32>, vector<16xf32>, vector<16xf32>, vector<16xf32>, vector<16xf32>, vector<16xf32>, vector<16xf32>, vector<16xf32>, vector<16xf32>, vector<16xf32>, vector<16xf32>, vector<16xf32>, vector<16xf32>, vector<16xf32>, vector<16xf32>, vector<16xf32>, vector<16xf32>, vector<16xf32>, vector<16xf32>, vector<16xf32>)  : i32 {
        %get3A = arith.constant 0 : i32
        %get3A_345 = arith.index_cast %get3A : i32 to index
        %get3A_346 = arith.index_cast %scan3A_324 : i32 to index
        %get3A_347 = arith.constant 0 : index
        %get3A_348 = tpu.vector_load %arg6[%get3A_345, %get3A_346, %get3A_347] {strides = array<i32>} : memref<2x200x64xf32, #tpu.memory_space<vmem>>, vector<1x1x16xf32>,
        %get3A_349 = vector.shape_cast %get3A_348 : vector<1x1x16xf32> to vector<16xf32>
        %mul3A_350 = arith.mulf %scan3A_325, %get3A_349 : vector<16xf32>
        %mul3A_351 = arith.mulf %scan3A_326, %get3A_349 : vector<16xf32>
        %add3A_352 = arith.addf %scan3A_327, %get3A_349 : vector<16xf32>
        %add3A_353 = arith.addf %scan3A_328, %mul3A_350 : vector<16xf32>
        %add3A_354 = arith.addf %scan3A_329, %mul3A_351 : vector<16xf32>
        %get3A_355 = arith.constant 0 : i32
        %get3A_356 = arith.index_cast %get3A_355 : i32 to index
        %get3A_357 = arith.index_cast %scan3A_324 : i32 to index
        %get3A_358 = arith.constant 16 : index
        %get3A_359 = tpu.vector_load %arg6[%get3A_356, %get3A_357, %get3A_358] {strides = array<i32>} : memref<2x200x64xf32, #tpu.memory_space<vmem>>, vector<1x1x16xf32>,
        %get3A_360 = vector.shape_cast %get3A_359 : vector<1x1x16xf32> to vector<16xf32>
        %mul3A_361 = arith.mulf %scan3A_330, %get3A_360 : vector<16xf32>
        %mul3A_362 = arith.mulf %scan3A_331, %get3A_360 : vector<16xf32>
        %add3A_363 = arith.addf %scan3A_332, %get3A_360 : vector<16xf32>
        %add3A_364 = arith.addf %scan3A_333, %mul3A_361 : vector<16xf32>
        %add3A_365 = arith.addf %scan3A_334, %mul3A_362 : vector<16xf32>
        %get3A_366 = arith.constant 0 : i32
        %get3A_367 = arith.index_cast %get3A_366 : i32 to index
        %get3A_368 = arith.index_cast %scan3A_324 : i32 to index
        %get3A_369 = arith.constant 32 : index
        %get3A_370 = tpu.vector_load %arg6[%get3A_367, %get3A_368, %get3A_369] {strides = array<i32>} : memref<2x200x64xf32, #tpu.memory_space<vmem>>, vector<1x1x16xf32>,
        %get3A_371 = vector.shape_cast %get3A_370 : vector<1x1x16xf32> to vector<16xf32>
        %mul3A_372 = arith.mulf %scan3A_335, %get3A_371 : vector<16xf32>
        %mul3A_373 = arith.mulf %scan3A_336, %get3A_371 : vector<16xf32>
        %add3A_374 = arith.addf %scan3A_337, %get3A_371 : vector<16xf32>
        %add3A_375 = arith.addf %scan3A_338, %mul3A_372 : vector<16xf32>
        %add3A_376 = arith.addf %scan3A_339, %mul3A_373 : vector<16xf32>
        %get3A_377 = arith.constant 0 : i32
        %get3A_378 = arith.index_cast %get3A_377 : i32 to index
        %get3A_379 = arith.index_cast %scan3A_324 : i32 to index
        %get3A_380 = arith.constant 48 : index
        %get3A_381 = tpu.vector_load %arg6[%get3A_378, %get3A_379, %get3A_380] {strides = array<i32>} : memref<2x200x64xf32, #tpu.memory_space<vmem>>, vector<1x1x16xf32>,
        %get3A_382 = vector.shape_cast %get3A_381 : vector<1x1x16xf32> to vector<16xf32>
        %mul3A_383 = arith.mulf %scan3A_340, %get3A_382 : vector<16xf32>
        %mul3A_384 = arith.mulf %scan3A_341, %get3A_382 : vector<16xf32>
        %add3A_385 = arith.addf %scan3A_342, %get3A_382 : vector<16xf32>
        %add3A_386 = arith.addf %scan3A_343, %mul3A_383 : vector<16xf32>
        %add3A_387 = arith.addf %scan3A_344, %mul3A_384 : vector<16xf32>
        %scan3A_388 = arith.constant 1 : i32
        %scan3A_389 = arith.addi %scan3A_324, %scan3A_388 : i32
        %get3A_390 = arith.constant 0 : i32
        %get3A_391 = arith.index_cast %get3A_390 : i32 to index
        %get3A_392 = arith.index_cast %scan3A_389 : i32 to index
        %get3A_393 = arith.constant 0 : index
        %get3A_394 = tpu.vector_load %arg6[%get3A_391, %get3A_392, %get3A_393] {strides = array<i32>} : memref<2x200x64xf32, #tpu.memory_space<vmem>>, vector<1x1x16xf32>,
        %get3A_395 = vector.shape_cast %get3A_394 : vector<1x1x16xf32> to vector<16xf32>
        %mul3A_396 = arith.mulf %get3A_349, %get3A_395 : vector<16xf32>
        %mul3A_397 = arith.mulf %mul3A_350, %get3A_395 : vector<16xf32>
        %add3A_398 = arith.addf %add3A_352, %get3A_395 : vector<16xf32>
        %add3A_399 = arith.addf %add3A_353, %mul3A_396 : vector<16xf32>
        %add3A_400 = arith.addf %add3A_354, %mul3A_397 : vector<16xf32>
        %get3A_401 = arith.constant 0 : i32
        %get3A_402 = arith.index_cast %get3A_401 : i32 to index
        %get3A_403 = arith.index_cast %scan3A_389 : i32 to index
        %get3A_404 = arith.constant 16 : index
        %get3A_405 = tpu.vector_load %arg6[%get3A_402, %get3A_403, %get3A_404] {strides = array<i32>} : memref<2x200x64xf32, #tpu.memory_space<vmem>>, vector<1x1x16xf32>,
        %get3A_406 = vector.shape_cast %get3A_405 : vector<1x1x16xf32> to vector<16xf32>
        %mul3A_407 = arith.mulf %get3A_360, %get3A_406 : vector<16xf32>
        %mul3A_408 = arith.mulf %mul3A_361, %get3A_406 : vector<16xf32>
        %add3A_409 = arith.addf %add3A_363, %get3A_406 : vector<16xf32>
        %add3A_410 = arith.addf %add3A_364, %mul3A_407 : vector<16xf32>
        %add3A_411 = arith.addf %add3A_365, %mul3A_408 : vector<16xf32>
        %get3A_412 = arith.constant 0 : i32
        %get3A_413 = arith.index_cast %get3A_412 : i32 to index
        %get3A_414 = arith.index_cast %scan3A_389 : i32 to index
        %get3A_415 = arith.constant 32 : index
        %get3A_416 = tpu.vector_load %arg6[%get3A_413, %get3A_414, %get3A_415] {strides = array<i32>} : memref<2x200x64xf32, #tpu.memory_space<vmem>>, vector<1x1x16xf32>,
        %get3A_417 = vector.shape_cast %get3A_416 : vector<1x1x16xf32> to vector<16xf32>
        %mul3A_418 = arith.mulf %get3A_371, %get3A_417 : vector<16xf32>
        %mul3A_419 = arith.mulf %mul3A_372, %get3A_417 : vector<16xf32>
        %add3A_420 = arith.addf %add3A_374, %get3A_417 : vector<16xf32>
        %add3A_421 = arith.addf %add3A_375, %mul3A_418 : vector<16xf32>
        %add3A_422 = arith.addf %add3A_376, %mul3A_419 : vector<16xf32>
        %get3A_423 = arith.constant 0 : i32
        %get3A_424 = arith.index_cast %get3A_423 : i32 to index
        %get3A_425 = arith.index_cast %scan3A_389 : i32 to index
        %get3A_426 = arith.constant 48 : index
        %get3A_427 = tpu.vector_load %arg6[%get3A_424, %get3A_425, %get3A_426] {strides = array<i32>} : memref<2x200x64xf32, #tpu.memory_space<vmem>>, vector<1x1x16xf32>,
        %get3A_428 = vector.shape_cast %get3A_427 : vector<1x1x16xf32> to vector<16xf32>
        %mul3A_429 = arith.mulf %get3A_382, %get3A_428 : vector<16xf32>
        %mul3A_430 = arith.mulf %mul3A_383, %get3A_428 : vector<16xf32>
        %add3A_431 = arith.addf %add3A_385, %get3A_428 : vector<16xf32>
        %add3A_432 = arith.addf %add3A_386, %mul3A_429 : vector<16xf32>
        %add3A_433 = arith.addf %add3A_387, %mul3A_430 : vector<16xf32>
        %scan3A_434 = arith.constant 2 : i32
        %scan3A_435 = arith.addi %scan3A_324, %scan3A_434 : i32
        %get3A_436 = arith.constant 0 : i32
        %get3A_437 = arith.index_cast %get3A_436 : i32 to index
        %get3A_438 = arith.index_cast %scan3A_435 : i32 to index
        %get3A_439 = arith.constant 0 : index
        %get3A_440 = tpu.vector_load %arg6[%get3A_437, %get3A_438, %get3A_439] {strides = array<i32>} : memref<2x200x64xf32, #tpu.memory_space<vmem>>, vector<1x1x16xf32>,
        %get3A_441 = vector.shape_cast %get3A_440 : vector<1x1x16xf32> to vector<16xf32>
        %mul3A_442 = arith.mulf %get3A_395, %get3A_441 : vector<16xf32>
        %mul3A_443 = arith.mulf %mul3A_396, %get3A_441 : vector<16xf32>
        %add3A_444 = arith.addf %add3A_398, %get3A_441 : vector<16xf32>
        %add3A_445 = arith.addf %add3A_399, %mul3A_442 : vector<16xf32>
        %add3A_446 = arith.addf %add3A_400, %mul3A_443 : vector<16xf32>
        %get3A_447 = arith.constant 0 : i32
        %get3A_448 = arith.index_cast %get3A_447 : i32 to index
        %get3A_449 = arith.index_cast %scan3A_435 : i32 to index
        %get3A_450 = arith.constant 16 : index
        %get3A_451 = tpu.vector_load %arg6[%get3A_448, %get3A_449, %get3A_450] {strides = array<i32>} : memref<2x200x64xf32, #tpu.memory_space<vmem>>, vector<1x1x16xf32>,
        %get3A_452 = vector.shape_cast %get3A_451 : vector<1x1x16xf32> to vector<16xf32>
        %mul3A_453 = arith.mulf %get3A_406, %get3A_452 : vector<16xf32>
        %mul3A_454 = arith.mulf %mul3A_407, %get3A_452 : vector<16xf32>
        %add3A_455 = arith.addf %add3A_409, %get3A_452 : vector<16xf32>
        %add3A_456 = arith.addf %add3A_410, %mul3A_453 : vector<16xf32>
        %add3A_457 = arith.addf %add3A_411, %mul3A_454 : vector<16xf32>
        %get3A_458 = arith.constant 0 : i32
        %get3A_459 = arith.index_cast %get3A_458 : i32 to index
        %get3A_460 = arith.index_cast %scan3A_435 : i32 to index
        %get3A_461 = arith.constant 32 : index
        %get3A_462 = tpu.vector_load %arg6[%get3A_459, %get3A_460, %get3A_461] {strides = array<i32>} : memref<2x200x64xf32, #tpu.memory_space<vmem>>, vector<1x1x16xf32>,
        %get3A_463 = vector.shape_cast %get3A_462 : vector<1x1x16xf32> to vector<16xf32>
        %mul3A_464 = arith.mulf %get3A_417, %get3A_463 : vector<16xf32>
        %mul3A_465 = arith.mulf %mul3A_418, %get3A_463 : vector<16xf32>
        %add3A_466 = arith.addf %add3A_420, %get3A_463 : vector<16xf32>
        %add3A_467 = arith.addf %add3A_421, %mul3A_464 : vector<16xf32>
        %add3A_468 = arith.addf %add3A_422, %mul3A_465 : vector<16xf32>
        %get3A_469 = arith.constant 0 : i32
        %get3A_470 = arith.index_cast %get3A_469 : i32 to index
        %get3A_471 = arith.index_cast %scan3A_435 : i32 to index
        %get3A_472 = arith.constant 48 : index
        %get3A_473 = tpu.vector_load %arg6[%get3A_470, %get3A_471, %get3A_472] {strides = array<i32>} : memref<2x200x64xf32, #tpu.memory_space<vmem>>, vector<1x1x16xf32>,
        %get3A_474 = vector.shape_cast %get3A_473 : vector<1x1x16xf32> to vector<16xf32>
        %mul3A_475 = arith.mulf %get3A_428, %get3A_474 : vector<16xf32>
        %mul3A_476 = arith.mulf %mul3A_429, %get3A_474 : vector<16xf32>
        %add3A_477 = arith.addf %add3A_431, %get3A_474 : vector<16xf32>
        %add3A_478 = arith.addf %add3A_432, %mul3A_475 : vector<16xf32>
        %add3A_479 = arith.addf %add3A_433, %mul3A_476 : vector<16xf32>
        %scan3A_480 = arith.constant 3 : i32
        %scan3A_481 = arith.addi %scan3A_324, %scan3A_480 : i32
        %get3A_482 = arith.constant 0 : i32
        %get3A_483 = arith.index_cast %get3A_482 : i32 to index
        %get3A_484 = arith.index_cast %scan3A_481 : i32 to index
        %get3A_485 = arith.constant 0 : index
        %get3A_486 = tpu.vector_load %arg6[%get3A_483, %get3A_484, %get3A_485] {strides = array<i32>} : memref<2x200x64xf32, #tpu.memory_space<vmem>>, vector<1x1x16xf32>,
        %get3A_487 = vector.shape_cast %get3A_486 : vector<1x1x16xf32> to vector<16xf32>
        %mul3A_488 = arith.mulf %get3A_441, %get3A_487 : vector<16xf32>
        %mul3A_489 = arith.mulf %mul3A_442, %get3A_487 : vector<16xf32>
        %add3A_490 = arith.addf %add3A_444, %get3A_487 : vector<16xf32>
        %add3A_491 = arith.addf %add3A_445, %mul3A_488 : vector<16xf32>
        %add3A_492 = arith.addf %add3A_446, %mul3A_489 : vector<16xf32>
        %get3A_493 = arith.constant 0 : i32
        %get3A_494 = arith.index_cast %get3A_493 : i32 to index
        %get3A_495 = arith.index_cast %scan3A_481 : i32 to index
        %get3A_496 = arith.constant 16 : index
        %get3A_497 = tpu.vector_load %arg6[%get3A_494, %get3A_495, %get3A_496] {strides = array<i32>} : memref<2x200x64xf32, #tpu.memory_space<vmem>>, vector<1x1x16xf32>,
        %get3A_498 = vector.shape_cast %get3A_497 : vector<1x1x16xf32> to vector<16xf32>
        %mul3A_499 = arith.mulf %get3A_452, %get3A_498 : vector<16xf32>
        %mul3A_500 = arith.mulf %mul3A_453, %get3A_498 : vector<16xf32>
        %add3A_501 = arith.addf %add3A_455, %get3A_498 : vector<16xf32>
        %add3A_502 = arith.addf %add3A_456, %mul3A_499 : vector<16xf32>
        %add3A_503 = arith.addf %add3A_457, %mul3A_500 : vector<16xf32>
        %get3A_504 = arith.constant 0 : i32
        %get3A_505 = arith.index_cast %get3A_504 : i32 to index
        %get3A_506 = arith.index_cast %scan3A_481 : i32 to index
        %get3A_507 = arith.constant 32 : index
        %get3A_508 = tpu.vector_load %arg6[%get3A_505, %get3A_506, %get3A_507] {strides = array<i32>} : memref<2x200x64xf32, #tpu.memory_space<vmem>>, vector<1x1x16xf32>,
        %get3A_509 = vector.shape_cast %get3A_508 : vector<1x1x16xf32> to vector<16xf32>
        %mul3A_510 = arith.mulf %get3A_463, %get3A_509 : vector<16xf32>
        %mul3A_511 = arith.mulf %mul3A_464, %get3A_509 : vector<16xf32>
        %add3A_512 = arith.addf %add3A_466, %get3A_509 : vector<16xf32>
        %add3A_513 = arith.addf %add3A_467, %mul3A_510 : vector<16xf32>
        %add3A_514 = arith.addf %add3A_468, %mul3A_511 : vector<16xf32>
        %get3A_515 = arith.constant 0 : i32
        %get3A_516 = arith.index_cast %get3A_515 : i32 to index
        %get3A_517 = arith.index_cast %scan3A_481 : i32 to index
        %get3A_518 = arith.constant 48 : index
        %get3A_519 = tpu.vector_load %arg6[%get3A_516, %get3A_517, %get3A_518] {strides = array<i32>} : memref<2x200x64xf32, #tpu.memory_space<vmem>>, vector<1x1x16xf32>,
        %get3A_520 = vector.shape_cast %get3A_519 : vector<1x1x16xf32> to vector<16xf32>
        %mul3A_521 = arith.mulf %get3A_474, %get3A_520 : vector<16xf32>
        %mul3A_522 = arith.mulf %mul3A_475, %get3A_520 : vector<16xf32>
        %add3A_523 = arith.addf %add3A_477, %get3A_520 : vector<16xf32>
        %add3A_524 = arith.addf %add3A_478, %mul3A_521 : vector<16xf32>
        %add3A_525 = arith.addf %add3A_479, %mul3A_522 : vector<16xf32>
        %scan3A_526 = arith.constant 4 : i32
        %scan3A_527 = arith.addi %scan3A_324, %scan3A_526 : i32
        %get3A_528 = arith.constant 0 : i32
        %get3A_529 = arith.index_cast %get3A_528 : i32 to index
        %get3A_530 = arith.index_cast %scan3A_527 : i32 to index
        %get3A_531 = arith.constant 0 : index
        %get3A_532 = tpu.vector_load %arg6[%get3A_529, %get3A_530, %get3A_531] {strides = array<i32>} : memref<2x200x64xf32, #tpu.memory_space<vmem>>, vector<1x1x16xf32>,
        %get3A_533 = vector.shape_cast %get3A_532 : vector<1x1x16xf32> to vector<16xf32>
        %mul3A_534 = arith.mulf %get3A_487, %get3A_533 : vector<16xf32>
        %mul3A_535 = arith.mulf %mul3A_488, %get3A_533 : vector<16xf32>
        %add3A_536 = arith.addf %add3A_490, %get3A_533 : vector<16xf32>
        %add3A_537 = arith.addf %add3A_491, %mul3A_534 : vector<16xf32>
        %add3A_538 = arith.addf %add3A_492, %mul3A_535 : vector<16xf32>
        %get3A_539 = arith.constant 0 : i32
        %get3A_540 = arith.index_cast %get3A_539 : i32 to index
        %get3A_541 = arith.index_cast %scan3A_527 : i32 to index
        %get3A_542 = arith.constant 16 : index
        %get3A_543 = tpu.vector_load %arg6[%get3A_540, %get3A_541, %get3A_542] {strides = array<i32>} : memref<2x200x64xf32, #tpu.memory_space<vmem>>, vector<1x1x16xf32>,
        %get3A_544 = vector.shape_cast %get3A_543 : vector<1x1x16xf32> to vector<16xf32>
        %mul3A_545 = arith.mulf %get3A_498, %get3A_544 : vector<16xf32>
        %mul3A_546 = arith.mulf %mul3A_499, %get3A_544 : vector<16xf32>
        %add3A_547 = arith.addf %add3A_501, %get3A_544 : vector<16xf32>
        %add3A_548 = arith.addf %add3A_502, %mul3A_545 : vector<16xf32>
        %add3A_549 = arith.addf %add3A_503, %mul3A_546 : vector<16xf32>
        %get3A_550 = arith.constant 0 : i32
        %get3A_551 = arith.index_cast %get3A_550 : i32 to index
        %get3A_552 = arith.index_cast %scan3A_527 : i32 to index
        %get3A_553 = arith.constant 32 : index
        %get3A_554 = tpu.vector_load %arg6[%get3A_551, %get3A_552, %get3A_553] {strides = array<i32>} : memref<2x200x64xf32, #tpu.memory_space<vmem>>, vector<1x1x16xf32>,
        %get3A_555 = vector.shape_cast %get3A_554 : vector<1x1x16xf32> to vector<16xf32>
        %mul3A_556 = arith.mulf %get3A_509, %get3A_555 : vector<16xf32>
        %mul3A_557 = arith.mulf %mul3A_510, %get3A_555 : vector<16xf32>
        %add3A_558 = arith.addf %add3A_512, %get3A_555 : vector<16xf32>
        %add3A_559 = arith.addf %add3A_513, %mul3A_556 : vector<16xf32>
        %add3A_560 = arith.addf %add3A_514, %mul3A_557 : vector<16xf32>
        %get3A_561 = arith.constant 0 : i32
        %get3A_562 = arith.index_cast %get3A_561 : i32 to index
        %get3A_563 = arith.index_cast %scan3A_527 : i32 to index
        %get3A_564 = arith.constant 48 : index
        %get3A_565 = tpu.vector_load %arg6[%get3A_562, %get3A_563, %get3A_564] {strides = array<i32>} : memref<2x200x64xf32, #tpu.memory_space<vmem>>, vector<1x1x16xf32>,
        %get3A_566 = vector.shape_cast %get3A_565 : vector<1x1x16xf32> to vector<16xf32>
        %mul3A_567 = arith.mulf %get3A_520, %get3A_566 : vector<16xf32>
        %mul3A_568 = arith.mulf %mul3A_521, %get3A_566 : vector<16xf32>
        %add3A_569 = arith.addf %add3A_523, %get3A_566 : vector<16xf32>
        %add3A_570 = arith.addf %add3A_524, %mul3A_567 : vector<16xf32>
        %add3A_571 = arith.addf %add3A_525, %mul3A_568 : vector<16xf32>
        %scan3A_572 = arith.constant 5 : i32
        %scan3A_573 = arith.addi %scan3A_324, %scan3A_572 : i32
        %get3A_574 = arith.constant 0 : i32
        %get3A_575 = arith.index_cast %get3A_574 : i32 to index
        %get3A_576 = arith.index_cast %scan3A_573 : i32 to index
        %get3A_577 = arith.constant 0 : index
        %get3A_578 = tpu.vector_load %arg6[%get3A_575, %get3A_576, %get3A_577] {strides = array<i32>} : memref<2x200x64xf32, #tpu.memory_space<vmem>>, vector<1x1x16xf32>,
        %get3A_579 = vector.shape_cast %get3A_578 : vector<1x1x16xf32> to vector<16xf32>
        %mul3A_580 = arith.mulf %get3A_533, %get3A_579 : vector<16xf32>
        %mul3A_581 = arith.mulf %mul3A_534, %get3A_579 : vector<16xf32>
        %add3A_582 = arith.addf %add3A_536, %get3A_579 : vector<16xf32>
        %add3A_583 = arith.addf %add3A_537, %mul3A_580 : vector<16xf32>
        %add3A_584 = arith.addf %add3A_538, %mul3A_581 : vector<16xf32>
        %get3A_585 = arith.constant 0 : i32
        %get3A_586 = arith.index_cast %get3A_585 : i32 to index
        %get3A_587 = arith.index_cast %scan3A_573 : i32 to index
        %get3A_588 = arith.constant 16 : index
        %get3A_589 = tpu.vector_load %arg6[%get3A_586, %get3A_587, %get3A_588] {strides = array<i32>} : memref<2x200x64xf32, #tpu.memory_space<vmem>>, vector<1x1x16xf32>,
        %get3A_590 = vector.shape_cast %get3A_589 : vector<1x1x16xf32> to vector<16xf32>
        %mul3A_591 = arith.mulf %get3A_544, %get3A_590 : vector<16xf32>
        %mul3A_592 = arith.mulf %mul3A_545, %get3A_590 : vector<16xf32>
        %add3A_593 = arith.addf %add3A_547, %get3A_590 : vector<16xf32>
        %add3A_594 = arith.addf %add3A_548, %mul3A_591 : vector<16xf32>
        %add3A_595 = arith.addf %add3A_549, %mul3A_592 : vector<16xf32>
        %get3A_596 = arith.constant 0 : i32
        %get3A_597 = arith.index_cast %get3A_596 : i32 to index
        %get3A_598 = arith.index_cast %scan3A_573 : i32 to index
        %get3A_599 = arith.constant 32 : index
        %get3A_600 = tpu.vector_load %arg6[%get3A_597, %get3A_598, %get3A_599] {strides = array<i32>} : memref<2x200x64xf32, #tpu.memory_space<vmem>>, vector<1x1x16xf32>,
        %get3A_601 = vector.shape_cast %get3A_600 : vector<1x1x16xf32> to vector<16xf32>
        %mul3A_602 = arith.mulf %get3A_555, %get3A_601 : vector<16xf32>
        %mul3A_603 = arith.mulf %mul3A_556, %get3A_601 : vector<16xf32>
        %add3A_604 = arith.addf %add3A_558, %get3A_601 : vector<16xf32>
        %add3A_605 = arith.addf %add3A_559, %mul3A_602 : vector<16xf32>
        %add3A_606 = arith.addf %add3A_560, %mul3A_603 : vector<16xf32>
        %get3A_607 = arith.constant 0 : i32
        %get3A_608 = arith.index_cast %get3A_607 : i32 to index
        %get3A_609 = arith.index_cast %scan3A_573 : i32 to index
        %get3A_610 = arith.constant 48 : index
        %get3A_611 = tpu.vector_load %arg6[%get3A_608, %get3A_609, %get3A_610] {strides = array<i32>} : memref<2x200x64xf32, #tpu.memory_space<vmem>>, vector<1x1x16xf32>,
        %get3A_612 = vector.shape_cast %get3A_611 : vector<1x1x16xf32> to vector<16xf32>
        %mul3A_613 = arith.mulf %get3A_566, %get3A_612 : vector<16xf32>
        %mul3A_614 = arith.mulf %mul3A_567, %get3A_612 : vector<16xf32>
        %add3A_615 = arith.addf %add3A_569, %get3A_612 : vector<16xf32>
        %add3A_616 = arith.addf %add3A_570, %mul3A_613 : vector<16xf32>
        %add3A_617 = arith.addf %add3A_571, %mul3A_614 : vector<16xf32>
        %scan3A_618 = arith.constant 6 : i32
        %scan3A_619 = arith.addi %scan3A_324, %scan3A_618 : i32
        %get3A_620 = arith.constant 0 : i32
        %get3A_621 = arith.index_cast %get3A_620 : i32 to index
        %get3A_622 = arith.index_cast %scan3A_619 : i32 to index
        %get3A_623 = arith.constant 0 : index
        %get3A_624 = tpu.vector_load %arg6[%get3A_621, %get3A_622, %get3A_623] {strides = array<i32>} : memref<2x200x64xf32, #tpu.memory_space<vmem>>, vector<1x1x16xf32>,
        %get3A_625 = vector.shape_cast %get3A_624 : vector<1x1x16xf32> to vector<16xf32>
        %mul3A_626 = arith.mulf %get3A_579, %get3A_625 : vector<16xf32>
        %mul3A_627 = arith.mulf %mul3A_580, %get3A_625 : vector<16xf32>
        %add3A_628 = arith.addf %add3A_582, %get3A_625 : vector<16xf32>
        %add3A_629 = arith.addf %add3A_583, %mul3A_626 : vector<16xf32>
        %add3A_630 = arith.addf %add3A_584, %mul3A_627 : vector<16xf32>
        %get3A_631 = arith.constant 0 : i32
        %get3A_632 = arith.index_cast %get3A_631 : i32 to index
        %get3A_633 = arith.index_cast %scan3A_619 : i32 to index
        %get3A_634 = arith.constant 16 : index
        %get3A_635 = tpu.vector_load %arg6[%get3A_632, %get3A_633, %get3A_634] {strides = array<i32>} : memref<2x200x64xf32, #tpu.memory_space<vmem>>, vector<1x1x16xf32>,
        %get3A_636 = vector.shape_cast %get3A_635 : vector<1x1x16xf32> to vector<16xf32>
        %mul3A_637 = arith.mulf %get3A_590, %get3A_636 : vector<16xf32>
        %mul3A_638 = arith.mulf %mul3A_591, %get3A_636 : vector<16xf32>
        %add3A_639 = arith.addf %add3A_593, %get3A_636 : vector<16xf32>
        %add3A_640 = arith.addf %add3A_594, %mul3A_637 : vector<16xf32>
        %add3A_641 = arith.addf %add3A_595, %mul3A_638 : vector<16xf32>
        %get3A_642 = arith.constant 0 : i32
        %get3A_643 = arith.index_cast %get3A_642 : i32 to index
        %get3A_644 = arith.index_cast %scan3A_619 : i32 to index
        %get3A_645 = arith.constant 32 : index
        %get3A_646 = tpu.vector_load %arg6[%get3A_643, %get3A_644, %get3A_645] {strides = array<i32>} : memref<2x200x64xf32, #tpu.memory_space<vmem>>, vector<1x1x16xf32>,
        %get3A_647 = vector.shape_cast %get3A_646 : vector<1x1x16xf32> to vector<16xf32>
        %mul3A_648 = arith.mulf %get3A_601, %get3A_647 : vector<16xf32>
        %mul3A_649 = arith.mulf %mul3A_602, %get3A_647 : vector<16xf32>
        %add3A_650 = arith.addf %add3A_604, %get3A_647 : vector<16xf32>
        %add3A_651 = arith.addf %add3A_605, %mul3A_648 : vector<16xf32>
        %add3A_652 = arith.addf %add3A_606, %mul3A_649 : vector<16xf32>
        %get3A_653 = arith.constant 0 : i32
        %get3A_654 = arith.index_cast %get3A_653 : i32 to index
        %get3A_655 = arith.index_cast %scan3A_619 : i32 to index
        %get3A_656 = arith.constant 48 : index
        %get3A_657 = tpu.vector_load %arg6[%get3A_654, %get3A_655, %get3A_656] {strides = array<i32>} : memref<2x200x64xf32, #tpu.memory_space<vmem>>, vector<1x1x16xf32>,
        %get3A_658 = vector.shape_cast %get3A_657 : vector<1x1x16xf32> to vector<16xf32>
        %mul3A_659 = arith.mulf %get3A_612, %get3A_658 : vector<16xf32>
        %mul3A_660 = arith.mulf %mul3A_613, %get3A_658 : vector<16xf32>
        %add3A_661 = arith.addf %add3A_615, %get3A_658 : vector<16xf32>
        %add3A_662 = arith.addf %add3A_616, %mul3A_659 : vector<16xf32>
        %add3A_663 = arith.addf %add3A_617, %mul3A_660 : vector<16xf32>
        %scan3A_664 = arith.constant 7 : i32
        %scan3A_665 = arith.addi %scan3A_324, %scan3A_664 : i32
        %get3A_666 = arith.constant 0 : i32
        %get3A_667 = arith.index_cast %get3A_666 : i32 to index
        %get3A_668 = arith.index_cast %scan3A_665 : i32 to index
        %get3A_669 = arith.constant 0 : index
        %get3A_670 = tpu.vector_load %arg6[%get3A_667, %get3A_668, %get3A_669] {strides = array<i32>} : memref<2x200x64xf32, #tpu.memory_space<vmem>>, vector<1x1x16xf32>,
        %get3A_671 = vector.shape_cast %get3A_670 : vector<1x1x16xf32> to vector<16xf32>
        %mul3A_672 = arith.mulf %get3A_625, %get3A_671 : vector<16xf32>
        %mul3A_673 = arith.mulf %mul3A_626, %get3A_671 : vector<16xf32>
        %add3A_674 = arith.addf %add3A_628, %get3A_671 : vector<16xf32>
        %add3A_675 = arith.addf %add3A_629, %mul3A_672 : vector<16xf32>
        %add3A_676 = arith.addf %add3A_630, %mul3A_673 : vector<16xf32>
        %get3A_677 = arith.constant 0 : i32
        %get3A_678 = arith.index_cast %get3A_677 : i32 to index
        %get3A_679 = arith.index_cast %scan3A_665 : i32 to index
        %get3A_680 = arith.constant 16 : index
        %get3A_681 = tpu.vector_load %arg6[%get3A_678, %get3A_679, %get3A_680] {strides = array<i32>} : memref<2x200x64xf32, #tpu.memory_space<vmem>>, vector<1x1x16xf32>,
        %get3A_682 = vector.shape_cast %get3A_681 : vector<1x1x16xf32> to vector<16xf32>
        %mul3A_683 = arith.mulf %get3A_636, %get3A_682 : vector<16xf32>
        %mul3A_684 = arith.mulf %mul3A_637, %get3A_682 : vector<16xf32>
        %add3A_685 = arith.addf %add3A_639, %get3A_682 : vector<16xf32>
        %add3A_686 = arith.addf %add3A_640, %mul3A_683 : vector<16xf32>
        %add3A_687 = arith.addf %add3A_641, %mul3A_684 : vector<16xf32>
        %get3A_688 = arith.constant 0 : i32
        %get3A_689 = arith.index_cast %get3A_688 : i32 to index
        %get3A_690 = arith.index_cast %scan3A_665 : i32 to index
        %get3A_691 = arith.constant 32 : index
        %get3A_692 = tpu.vector_load %arg6[%get3A_689, %get3A_690, %get3A_691] {strides = array<i32>} : memref<2x200x64xf32, #tpu.memory_space<vmem>>, vector<1x1x16xf32>,
        %get3A_693 = vector.shape_cast %get3A_692 : vector<1x1x16xf32> to vector<16xf32>
        %mul3A_694 = arith.mulf %get3A_647, %get3A_693 : vector<16xf32>
        %mul3A_695 = arith.mulf %mul3A_648, %get3A_693 : vector<16xf32>
        %add3A_696 = arith.addf %add3A_650, %get3A_693 : vector<16xf32>
        %add3A_697 = arith.addf %add3A_651, %mul3A_694 : vector<16xf32>
        %add3A_698 = arith.addf %add3A_652, %mul3A_695 : vector<16xf32>
        %get3A_699 = arith.constant 0 : i32
        %get3A_700 = arith.index_cast %get3A_699 : i32 to index
        %get3A_701 = arith.index_cast %scan3A_665 : i32 to index
        %get3A_702 = arith.constant 48 : index
        %get3A_703 = tpu.vector_load %arg6[%get3A_700, %get3A_701, %get3A_702] {strides = array<i32>} : memref<2x200x64xf32, #tpu.memory_space<vmem>>, vector<1x1x16xf32>,
        %get3A_704 = vector.shape_cast %get3A_703 : vector<1x1x16xf32> to vector<16xf32>
        %mul3A_705 = arith.mulf %get3A_658, %get3A_704 : vector<16xf32>
        %mul3A_706 = arith.mulf %mul3A_659, %get3A_704 : vector<16xf32>
        %add3A_707 = arith.addf %add3A_661, %get3A_704 : vector<16xf32>
        %add3A_708 = arith.addf %add3A_662, %mul3A_705 : vector<16xf32>
        %add3A_709 = arith.addf %add3A_663, %mul3A_706 : vector<16xf32>
        scf.yield %get3A_671, %mul3A_672, %add3A_674, %add3A_675, %add3A_676, %get3A_682, %mul3A_683, %add3A_685, %add3A_686, %add3A_687, %get3A_693, %mul3A_694, %add3A_696, %add3A_697, %add3A_698, %get3A_704, %mul3A_705, %add3A_707, %add3A_708, %add3A_709 : vector<16xf32>, vector<16xf32>, vector<16xf32>, vector<16xf32>, vector<16xf32>, vector<16xf32>, vector<16xf32>, vector<16xf32>, vector<16xf32>, vector<16xf32>, vector<16xf32>, vector<16xf32>, vector<16xf32>, vector<16xf32>, vector<16xf32>, vector<16xf32>, vector<16xf32>, vector<16xf32>, vector<16xf32>, vector<16xf32>
      }
      %scan3A_92 = arith.constant 200 : i32
      %mul3A_93 = arith.constant 5.000000e-03 : f32
      %mul3A_94 = vector.broadcast %mul3A_93 : f32 to vector<16xf32>
      %mul3A_95 = arith.mulf %scan3A_91#2, %mul3A_94 : vector<16xf32>
      %swap3A = arith.index_cast %mul3A_34 : i32 to index
      %swap3A_96 = arith.constant 0 : index
      %swap3A_97 = tpu.vector_load %arg7[%swap3A, %swap3A_96] {strides = array<i32>} : memref<128x192xf32, #tpu.memory_space<vmem>>, vector<1x16xf32>,
      %swap3A_98 = vector.shape_cast %swap3A_97 : vector<1x16xf32> to vector<16xf32>
      %swap3A_99 = vector.shape_cast %mul3A_95 : vector<16xf32> to vector<1x16xf32>
      tpu.vector_store %arg7[%swap3A, %swap3A_96], %swap3A_99 {strides = array<i32>} : memref<128x192xf32, #tpu.memory_space<vmem>>, vector<1x16xf32>,
      %mul3A_100 = arith.constant 0.00502512557 : f32
      %mul3A_101 = vector.broadcast %mul3A_100 : f32 to vector<16xf32>
      %mul3A_102 = arith.mulf %scan3A_91#3, %mul3A_101 : vector<16xf32>
      %swap3A_103 = arith.index_cast %mul3A_34 : i32 to index
      %swap3A_104 = arith.constant 64 : index
      %swap3A_105 = tpu.vector_load %arg7[%swap3A_103, %swap3A_104] {strides = array<i32>} : memref<128x192xf32, #tpu.memory_space<vmem>>, vector<1x16xf32>,
      %swap3A_106 = vector.shape_cast %swap3A_105 : vector<1x16xf32> to vector<16xf32>
      %swap3A_107 = vector.shape_cast %mul3A_102 : vector<16xf32> to vector<1x16xf32>
      tpu.vector_store %arg7[%swap3A_103, %swap3A_104], %swap3A_107 {strides = array<i32>} : memref<128x192xf32, #tpu.memory_space<vmem>>, vector<1x16xf32>,
      %mul3A_108 = arith.constant 0.00505050505 : f32
      %mul3A_109 = vector.broadcast %mul3A_108 : f32 to vector<16xf32>
      %mul3A_110 = arith.mulf %scan3A_91#4, %mul3A_109 : vector<16xf32>
      %swap3A_111 = arith.index_cast %mul3A_34 : i32 to index
      %swap3A_112 = arith.constant 128 : index
      %swap3A_113 = tpu.vector_load %arg7[%swap3A_111, %swap3A_112] {strides = array<i32>} : memref<128x192xf32, #tpu.memory_space<vmem>>, vector<1x16xf32>,
      %swap3A_114 = vector.shape_cast %swap3A_113 : vector<1x16xf32> to vector<16xf32>
      %swap3A_115 = vector.shape_cast %mul3A_110 : vector<16xf32> to vector<1x16xf32>
      tpu.vector_store %arg7[%swap3A_111, %swap3A_112], %swap3A_115 {strides = array<i32>} : memref<128x192xf32, #tpu.memory_space<vmem>>, vector<1x16xf32>,
      %mul3A_116 = arith.constant 5.000000e-03 : f32
      %mul3A_117 = vector.broadcast %mul3A_116 : f32 to vector<16xf32>
      %mul3A_118 = arith.mulf %scan3A_91#7, %mul3A_117 : vector<16xf32>
      %swap3A_119 = arith.index_cast %mul3A_34 : i32 to index
      %swap3A_120 = arith.constant 16 : index
      %swap3A_121 = tpu.vector_load %arg7[%swap3A_119, %swap3A_120] {strides = array<i32>} : memref<128x192xf32, #tpu.memory_space<vmem>>, vector<1x16xf32>,
      %swap3A_122 = vector.shape_cast %swap3A_121 : vector<1x16xf32> to vector<16xf32>
      %swap3A_123 = vector.shape_cast %mul3A_118 : vector<16xf32> to vector<1x16xf32>
      tpu.vector_store %arg7[%swap3A_119, %swap3A_120], %swap3A_123 {strides = array<i32>} : memref<128x192xf32, #tpu.memory_space<vmem>>, vector<1x16xf32>,
      %mul3A_124 = arith.constant 0.00502512557 : f32
      %mul3A_125 = vector.broadcast %mul3A_124 : f32 to vector<16xf32>
      %mul3A_126 = arith.mulf %scan3A_91#8, %mul3A_125 : vector<16xf32>
      %swap3A_127 = arith.index_cast %mul3A_34 : i32 to index
      %swap3A_128 = arith.constant 80 : index
      %swap3A_129 = tpu.vector_load %arg7[%swap3A_127, %swap3A_128] {strides = array<i32>} : memref<128x192xf32, #tpu.memory_space<vmem>>, vector<1x16xf32>,
      %swap3A_130 = vector.shape_cast %swap3A_129 : vector<1x16xf32> to vector<16xf32>
      %swap3A_131 = vector.shape_cast %mul3A_126 : vector<16xf32> to vector<1x16xf32>
      tpu.vector_store %arg7[%swap3A_127, %swap3A_128], %swap3A_131 {strides = array<i32>} : memref<128x192xf32, #tpu.memory_space<vmem>>, vector<1x16xf32>,
      %mul3A_132 = arith.constant 0.00505050505 : f32
      %mul3A_133 = vector.broadcast %mul3A_132 : f32 to vector<16xf32>
      %mul3A_134 = arith.mulf %scan3A_91#9, %mul3A_133 : vector<16xf32>
      %swap3A_135 = arith.index_cast %mul3A_34 : i32 to index
      %swap3A_136 = arith.constant 144 : index
      %swap3A_137 = tpu.vector_load %arg7[%swap3A_135, %swap3A_136] {strides = array<i32>} : memref<128x192xf32, #tpu.memory_space<vmem>>, vector<1x16xf32>,
      %swap3A_138 = vector.shape_cast %swap3A_137 : vector<1x16xf32> to vector<16xf32>
      %swap3A_139 = vector.shape_cast %mul3A_134 : vector<16xf32> to vector<1x16xf32>
      tpu.vector_store %arg7[%swap3A_135, %swap3A_136], %swap3A_139 {strides = array<i32>} : memref<128x192xf32, #tpu.memory_space<vmem>>, vector<1x16xf32>,
      %mul3A_140 = arith.constant 5.000000e-03 : f32
      %mul3A_141 = vector.broadcast %mul3A_140 : f32 to vector<16xf32>
      %mul3A_142 = arith.mulf %scan3A_91#12, %mul3A_141 : vector<16xf32>
      %swap3A_143 = arith.index_cast %mul3A_34 : i32 to index
      %swap3A_144 = arith.constant 32 : index
      %swap3A_145 = tpu.vector_load %arg7[%swap3A_143, %swap3A_144] {strides = array<i32>} : memref<128x192xf32, #tpu.memory_space<vmem>>, vector<1x16xf32>,
      %swap3A_146 = vector.shape_cast %swap3A_145 : vector<1x16xf32> to vector<16xf32>
      %swap3A_147 = vector.shape_cast %mul3A_142 : vector<16xf32> to vector<1x16xf32>
      tpu.vector_store %arg7[%swap3A_143, %swap3A_144], %swap3A_147 {strides = array<i32>} : memref<128x192xf32, #tpu.memory_space<vmem>>, vector<1x16xf32>,
      %mul3A_148 = arith.constant 0.00502512557 : f32
      %mul3A_149 = vector.broadcast %mul3A_148 : f32 to vector<16xf32>
      %mul3A_150 = arith.mulf %scan3A_91#13, %mul3A_149 : vector<16xf32>
      %swap3A_151 = arith.index_cast %mul3A_34 : i32 to index
      %swap3A_152 = arith.constant 96 : index
      %swap3A_153 = tpu.vector_load %arg7[%swap3A_151, %swap3A_152] {strides = array<i32>} : memref<128x192xf32, #tpu.memory_space<vmem>>, vector<1x16xf32>,
      %swap3A_154 = vector.shape_cast %swap3A_153 : vector<1x16xf32> to vector<16xf32>
      %swap3A_155 = vector.shape_cast %mul3A_150 : vector<16xf32> to vector<1x16xf32>
      tpu.vector_store %arg7[%swap3A_151, %swap3A_152], %swap3A_155 {strides = array<i32>} : memref<128x192xf32, #tpu.memory_space<vmem>>, vector<1x16xf32>,
      %mul3A_156 = arith.constant 0.00505050505 : f32
      %mul3A_157 = vector.broadcast %mul3A_156 : f32 to vector<16xf32>
      %mul3A_158 = arith.mulf %scan3A_91#14, %mul3A_157 : vector<16xf32>
      %swap3A_159 = arith.index_cast %mul3A_34 : i32 to index
      %swap3A_160 = arith.constant 160 : index
      %swap3A_161 = tpu.vector_load %arg7[%swap3A_159, %swap3A_160] {strides = array<i32>} : memref<128x192xf32, #tpu.memory_space<vmem>>, vector<1x16xf32>,
      %swap3A_162 = vector.shape_cast %swap3A_161 : vector<1x16xf32> to vector<16xf32>
      %swap3A_163 = vector.shape_cast %mul3A_158 : vector<16xf32> to vector<1x16xf32>
      tpu.vector_store %arg7[%swap3A_159, %swap3A_160], %swap3A_163 {strides = array<i32>} : memref<128x192xf32, #tpu.memory_space<vmem>>, vector<1x16xf32>,
      %mul3A_164 = arith.constant 5.000000e-03 : f32
      %mul3A_165 = vector.broadcast %mul3A_164 : f32 to vector<16xf32>
      %mul3A_166 = arith.mulf %scan3A_91#17, %mul3A_165 : vector<16xf32>
      %swap3A_167 = arith.index_cast %mul3A_34 : i32 to index
      %swap3A_168 = arith.constant 48 : index
      %swap3A_169 = tpu.vector_load %arg7[%swap3A_167, %swap3A_168] {strides = array<i32>} : memref<128x192xf32, #tpu.memory_space<vmem>>, vector<1x16xf32>,
      %swap3A_170 = vector.shape_cast %swap3A_169 : vector<1x16xf32> to vector<16xf32>
      %swap3A_171 = vector.shape_cast %mul3A_166 : vector<16xf32> to vector<1x16xf32>
      tpu.vector_store %arg7[%swap3A_167, %swap3A_168], %swap3A_171 {strides = array<i32>} : memref<128x192xf32, #tpu.memory_space<vmem>>, vector<1x16xf32>,
      %mul3A_172 = arith.constant 0.00502512557 : f32
      %mul3A_173 = vector.broadcast %mul3A_172 : f32 to vector<16xf32>
      %mul3A_174 = arith.mulf %scan3A_91#18, %mul3A_173 : vector<16xf32>
      %swap3A_175 = arith.index_cast %mul3A_34 : i32 to index
      %swap3A_176 = arith.constant 112 : index
      %swap3A_177 = tpu.vector_load %arg7[%swap3A_175, %swap3A_176] {strides = array<i32>} : memref<128x192xf32, #tpu.memory_space<vmem>>, vector<1x16xf32>,
      %swap3A_178 = vector.shape_cast %swap3A_177 : vector<1x16xf32> to vector<16xf32>
      %swap3A_179 = vector.shape_cast %mul3A_174 : vector<16xf32> to vector<1x16xf32>
      tpu.vector_store %arg7[%swap3A_175, %swap3A_176], %swap3A_179 {strides = array<i32>} : memref<128x192xf32, #tpu.memory_space<vmem>>, vector<1x16xf32>,
      %mul3A_180 = arith.constant 0.00505050505 : f32
      %mul3A_181 = vector.broadcast %mul3A_180 : f32 to vector<16xf32>
      %mul3A_182 = arith.mulf %scan3A_91#19, %mul3A_181 : vector<16xf32>
      %swap3A_183 = arith.index_cast %mul3A_34 : i32 to index
      %swap3A_184 = arith.constant 176 : index
      %swap3A_185 = tpu.vector_load %arg7[%swap3A_183, %swap3A_184] {strides = array<i32>} : memref<128x192xf32, #tpu.memory_space<vmem>>, vector<1x16xf32>,
      %swap3A_186 = vector.shape_cast %swap3A_185 : vector<1x16xf32> to vector<16xf32>
      %swap3A_187 = vector.shape_cast %mul3A_182 : vector<16xf32> to vector<1x16xf32>
      tpu.vector_store %arg7[%swap3A_183, %swap3A_184], %swap3A_187 {strides = array<i32>} : memref<128x192xf32, #tpu.memory_space<vmem>>, vector<1x16xf32>,
      %add3A_188 = arith.constant 2 : i32
      %add3A_189 = arith.addi %mul3A_34, %add3A_188 : i32
      %lt3A = arith.constant 128 : i32
      %lt3A_190 = arith.cmpi slt, %add3A_189, %lt3A : i32
      %convert_element_type3A = arith.extui %lt3A_190 : i1 to i32
      %cond3A = arith.constant 0 : i32
      %cond3A_191 = arith.cmpi ne, %convert_element_type3A, %cond3A : i32
      scf.if %cond3A_191 {
        %add3A_324 = arith.constant 2 : i32
        %add3A_325 = arith.addi %mul3A_34, %add3A_324 : i32
        %dma_start3A_326 = arith.constant 0 : i32
        %dma_start3A_327 = arith.constant 0 : i32
        %dma_start3A_328 = arith.constant 0 : i32
        %dma_start3A_329 = arith.constant 0 : i32
        %dma_start3A_330 = tpu.memref_slice %arg6[%dma_start3A_327, %dma_start3A_328, %dma_start3A_329] : memref<2x200x64xf32, #tpu.memory_space<vmem>> -> memref<1x100x64xf32, #tpu.memory_space<vmem>>
        %dma_start3A_331 = tpu.memref_squeeze %dma_start3A_330 : memref<1x100x64xf32, #tpu.memory_space<vmem>> -> memref<100x64xf32, #tpu.memory_space<vmem>>
        %dma_start3A_332 = arith.constant 0 : i32
        %dma_start3A_333 = tpu.memref_slice %arg5[%add3A_325, %dma_start3A_326, %dma_start3A_332] : memref<128x2x100xi32, #tpu.memory_space<vmem>> -> memref<1x1x100xi32, #tpu.memory_space<vmem>>
        %dma_start3A_334 = tpu.memref_squeeze %dma_start3A_333 : memref<1x1x100xi32, #tpu.memory_space<vmem>> -> memref<100xi32, #tpu.memory_space<vmem>>
        %dma_start3A_335 = arith.constant 0 : i32
        %dma_start3A_336 = arith.constant 0 : i32
        %dma_start3A_337 = tpu.memref_slice %arg3[%dma_start3A_335, %dma_start3A_336] : memref<1015808x64xf32, #tpu.memory_space<hbm>> -> memref<1015808x64xf32, #tpu.memory_space<hbm>>
        tpu.enqueue_indirect_dma source(%dma_start3A_337 : memref<1015808x64xf32, #tpu.memory_space<hbm>>) target(%dma_start3A_331 : memref<100x64xf32, #tpu.memory_space<vmem>>) offsets(%dma_start3A_334 : memref<100xi32, #tpu.memory_space<vmem>>) semaphore(%arg8 : memref<!tpu.dma_semaphore, #tpu.memory_space<semaphore_mem>>)
        %dma_start3A_338 = arith.constant 1 : i32
        %dma_start3A_339 = arith.constant 0 : i32
        %dma_start3A_340 = arith.constant 100 : i32
        %dma_start3A_341 = arith.constant 0 : i32
        %dma_start3A_342 = tpu.memref_slice %arg6[%dma_start3A_339, %dma_start3A_340, %dma_start3A_341] : memref<2x200x64xf32, #tpu.memory_space<vmem>> -> memref<1x100x64xf32, #tpu.memory_space<vmem>>
        %dma_start3A_343 = tpu.memref_squeeze %dma_start3A_342 : memref<1x100x64xf32, #tpu.memory_space<vmem>> -> memref<100x64xf32, #tpu.memory_space<vmem>>
        %dma_start3A_344 = arith.constant 0 : i32
        %dma_start3A_345 = tpu.memref_slice %arg5[%add3A_325, %dma_start3A_338, %dma_start3A_344] : memref<128x2x100xi32, #tpu.memory_space<vmem>> -> memref<1x1x100xi32, #tpu.memory_space<vmem>>
        %dma_start3A_346 = tpu.memref_squeeze %dma_start3A_345 : memref<1x1x100xi32, #tpu.memory_space<vmem>> -> memref<100xi32, #tpu.memory_space<vmem>>
        %dma_start3A_347 = arith.constant 0 : i32
        %dma_start3A_348 = arith.constant 0 : i32
        %dma_start3A_349 = tpu.memref_slice %arg3[%dma_start3A_347, %dma_start3A_348] : memref<1015808x64xf32, #tpu.memory_space<hbm>> -> memref<1015808x64xf32, #tpu.memory_space<hbm>>
        tpu.enqueue_indirect_dma source(%dma_start3A_349 : memref<1015808x64xf32, #tpu.memory_space<hbm>>) target(%dma_start3A_343 : memref<100x64xf32, #tpu.memory_space<vmem>>) offsets(%dma_start3A_346 : memref<100xi32, #tpu.memory_space<vmem>>) semaphore(%arg8 : memref<!tpu.dma_semaphore, #tpu.memory_space<semaphore_mem>>)
      } else {
      }
      %dma_wait3A_192 = arith.constant 0 : i32
      %dma_wait3A_193 = arith.constant 0 : i32
      %dma_wait3A_194 = arith.constant 1 : i32
      %dma_wait3A_195 = arith.constant 0 : i32
      %dma_wait3A_196 = arith.constant 0 : i32
      %dma_wait3A_197 = tpu.memref_slice %arg6[%dma_wait3A_194, %dma_wait3A_195, %dma_wait3A_196] : memref<2x200x64xf32, #tpu.memory_space<vmem>> -> memref<1x100x64xf32, #tpu.memory_space<vmem>>
      %dma_wait3A_198 = tpu.memref_squeeze %dma_wait3A_197 : memref<1x100x64xf32, #tpu.memory_space<vmem>> -> memref<100x64xf32, #tpu.memory_space<vmem>>
      %dma_wait3A_199 = arith.constant 0 : i32
      %dma_wait3A_200 = tpu.memref_slice %arg5[%dma_wait3A_192, %dma_wait3A_193, %dma_wait3A_199] : memref<128x2x100xi32, #tpu.memory_space<vmem>> -> memref<1x1x100xi32, #tpu.memory_space<vmem>>
      %dma_wait3A_201 = tpu.memref_squeeze %dma_wait3A_200 : memref<1x1x100xi32, #tpu.memory_space<vmem>> -> memref<100xi32, #tpu.memory_space<vmem>>
      %dma_wait3A_202 = arith.constant 0 : i32
      %dma_wait3A_203 = arith.constant 0 : i32
      %dma_wait3A_204 = tpu.memref_slice %arg3[%dma_wait3A_202, %dma_wait3A_203] : memref<1015808x64xf32, #tpu.memory_space<hbm>> -> memref<1015808x64xf32, #tpu.memory_space<hbm>>
      tpu.wait_indirect_dma semaphore(%arg9 : memref<!tpu.dma_semaphore, #tpu.memory_space<semaphore_mem>>) src(%dma_wait3A_204 : memref<1015808x64xf32, #tpu.memory_space<hbm>>) dst(%dma_wait3A_198 : memref<100x64xf32, #tpu.memory_space<vmem>>)
      %dma_wait3A_205 = arith.constant 0 : i32
      %dma_wait3A_206 = arith.constant 0 : i32
      %dma_wait3A_207 = arith.constant 1 : i32
      %dma_wait3A_208 = arith.constant 100 : i32
      %dma_wait3A_209 = arith.constant 0 : i32
      %dma_wait3A_210 = tpu.memref_slice %arg6[%dma_wait3A_207, %dma_wait3A_208, %dma_wait3A_209] : memref<2x200x64xf32, #tpu.memory_space<vmem>> -> memref<1x100x64xf32, #tpu.memory_space<vmem>>
      %dma_wait3A_211 = tpu.memref_squeeze %dma_wait3A_210 : memref<1x100x64xf32, #tpu.memory_space<vmem>> -> memref<100x64xf32, #tpu.memory_space<vmem>>
      %dma_wait3A_212 = arith.constant 0 : i32
      %dma_wait3A_213 = tpu.memref_slice %arg5[%dma_wait3A_205, %dma_wait3A_206, %dma_wait3A_212] : memref<128x2x100xi32, #tpu.memory_space<vmem>> -> memref<1x1x100xi32, #tpu.memory_space<vmem>>
      %dma_wait3A_214 = tpu.memref_squeeze %dma_wait3A_213 : memref<1x1x100xi32, #tpu.memory_space<vmem>> -> memref<100xi32, #tpu.memory_space<vmem>>
      %dma_wait3A_215 = arith.constant 0 : i32
      %dma_wait3A_216 = arith.constant 0 : i32
      %dma_wait3A_217 = tpu.memref_slice %arg3[%dma_wait3A_215, %dma_wait3A_216] : memref<1015808x64xf32, #tpu.memory_space<hbm>> -> memref<1015808x64xf32, #tpu.memory_space<hbm>>
      tpu.wait_indirect_dma semaphore(%arg9 : memref<!tpu.dma_semaphore, #tpu.memory_space<semaphore_mem>>) src(%dma_wait3A_217 : memref<1015808x64xf32, #tpu.memory_space<hbm>>) dst(%dma_wait3A_211 : memref<100x64xf32, #tpu.memory_space<vmem>>)
      %add3A_218 = arith.constant 1 : i32
      %add3A_219 = arith.addi %mul3A_34, %add3A_218 : i32
      %broadcast_in_dim3A_220 = arith.constant 0.000000e+00 : f32
      %broadcast_in_dim3A_221 = vector.broadcast %broadcast_in_dim3A_220 : f32 to vector<16xf32>
      %scan3A_222 = arith.constant 0 : i32
      %scan3A_223 = arith.constant 200 : i32
      %scan3A_224 = arith.addi %scan3A_222, %scan3A_223 : i32
      %scan3A_225 = arith.constant 8 : i32
      %scan3A_226:20 = scf.for %scan3A_324 = %scan3A_222 to %scan3A_224 step %scan3A_225 iter_args(%scan3A_325 = %broadcast_in_dim3A_221, %scan3A_326 = %broadcast_in_dim3A_221, %scan3A_327 = %broadcast_in_dim3A_221, %scan3A_328 = %broadcast_in_dim3A_221, %scan3A_329 = %broadcast_in_dim3A_221, %scan3A_330 = %broadcast_in_dim3A_221, %scan3A_331 = %broadcast_in_dim3A_221, %scan3A_332 = %broadcast_in_dim3A_221, %scan3A_333 = %broadcast_in_dim3A_221, %scan3A_334 = %broadcast_in_dim3A_221, %scan3A_335 = %broadcast_in_dim3A_221, %scan3A_336 = %broadcast_in_dim3A_221, %scan3A_337 = %broadcast_in_dim3A_221, %scan3A_338 = %broadcast_in_dim3A_221, %scan3A_339 = %broadcast_in_dim3A_221, %scan3A_340 = %broadcast_in_dim3A_221, %scan3A_341 = %broadcast_in_dim3A_221, %scan3A_342 = %broadcast_in_dim3A_221, %scan3A_343 = %broadcast_in_dim3A_221, %scan3A_344 = %broadcast_in_dim3A_221) -> (vector<16xf32>, vector<16xf32>, vector<16xf32>, vector<16xf32>, vector<16xf32>, vector<16xf32>, vector<16xf32>, vector<16xf32>, vector<16xf32>, vector<16xf32>, vector<16xf32>, vector<16xf32>, vector<16xf32>, vector<16xf32>, vector<16xf32>, vector<16xf32>, vector<16xf32>, vector<16xf32>, vector<16xf32>, vector<16xf32>)  : i32 {
        %get3A = arith.constant 1 : i32
        %get3A_345 = arith.index_cast %get3A : i32 to index
        %get3A_346 = arith.index_cast %scan3A_324 : i32 to index
        %get3A_347 = arith.constant 0 : index
        %get3A_348 = tpu.vector_load %arg6[%get3A_345, %get3A_346, %get3A_347] {strides = array<i32>} : memref<2x200x64xf32, #tpu.memory_space<vmem>>, vector<1x1x16xf32>,
        %get3A_349 = vector.shape_cast %get3A_348 : vector<1x1x16xf32> to vector<16xf32>
        %mul3A_350 = arith.mulf %scan3A_325, %get3A_349 : vector<16xf32>
        %mul3A_351 = arith.mulf %scan3A_326, %get3A_349 : vector<16xf32>
        %add3A_352 = arith.addf %scan3A_327, %get3A_349 : vector<16xf32>
        %add3A_353 = arith.addf %scan3A_328, %mul3A_350 : vector<16xf32>
        %add3A_354 = arith.addf %scan3A_329, %mul3A_351 : vector<16xf32>
        %get3A_355 = arith.constant 1 : i32
        %get3A_356 = arith.index_cast %get3A_355 : i32 to index
        %get3A_357 = arith.index_cast %scan3A_324 : i32 to index
        %get3A_358 = arith.constant 16 : index
        %get3A_359 = tpu.vector_load %arg6[%get3A_356, %get3A_357, %get3A_358] {strides = array<i32>} : memref<2x200x64xf32, #tpu.memory_space<vmem>>, vector<1x1x16xf32>,
        %get3A_360 = vector.shape_cast %get3A_359 : vector<1x1x16xf32> to vector<16xf32>
        %mul3A_361 = arith.mulf %scan3A_330, %get3A_360 : vector<16xf32>
        %mul3A_362 = arith.mulf %scan3A_331, %get3A_360 : vector<16xf32>
        %add3A_363 = arith.addf %scan3A_332, %get3A_360 : vector<16xf32>
        %add3A_364 = arith.addf %scan3A_333, %mul3A_361 : vector<16xf32>
        %add3A_365 = arith.addf %scan3A_334, %mul3A_362 : vector<16xf32>
        %get3A_366 = arith.constant 1 : i32
        %get3A_367 = arith.index_cast %get3A_366 : i32 to index
        %get3A_368 = arith.index_cast %scan3A_324 : i32 to index
        %get3A_369 = arith.constant 32 : index
        %get3A_370 = tpu.vector_load %arg6[%get3A_367, %get3A_368, %get3A_369] {strides = array<i32>} : memref<2x200x64xf32, #tpu.memory_space<vmem>>, vector<1x1x16xf32>,
        %get3A_371 = vector.shape_cast %get3A_370 : vector<1x1x16xf32> to vector<16xf32>
        %mul3A_372 = arith.mulf %scan3A_335, %get3A_371 : vector<16xf32>
        %mul3A_373 = arith.mulf %scan3A_336, %get3A_371 : vector<16xf32>
        %add3A_374 = arith.addf %scan3A_337, %get3A_371 : vector<16xf32>
        %add3A_375 = arith.addf %scan3A_338, %mul3A_372 : vector<16xf32>
        %add3A_376 = arith.addf %scan3A_339, %mul3A_373 : vector<16xf32>
        %get3A_377 = arith.constant 1 : i32
        %get3A_378 = arith.index_cast %get3A_377 : i32 to index
        %get3A_379 = arith.index_cast %scan3A_324 : i32 to index
        %get3A_380 = arith.constant 48 : index
        %get3A_381 = tpu.vector_load %arg6[%get3A_378, %get3A_379, %get3A_380] {strides = array<i32>} : memref<2x200x64xf32, #tpu.memory_space<vmem>>, vector<1x1x16xf32>,
        %get3A_382 = vector.shape_cast %get3A_381 : vector<1x1x16xf32> to vector<16xf32>
        %mul3A_383 = arith.mulf %scan3A_340, %get3A_382 : vector<16xf32>
        %mul3A_384 = arith.mulf %scan3A_341, %get3A_382 : vector<16xf32>
        %add3A_385 = arith.addf %scan3A_342, %get3A_382 : vector<16xf32>
        %add3A_386 = arith.addf %scan3A_343, %mul3A_383 : vector<16xf32>
        %add3A_387 = arith.addf %scan3A_344, %mul3A_384 : vector<16xf32>
        %scan3A_388 = arith.constant 1 : i32
        %scan3A_389 = arith.addi %scan3A_324, %scan3A_388 : i32
        %get3A_390 = arith.constant 1 : i32
        %get3A_391 = arith.index_cast %get3A_390 : i32 to index
        %get3A_392 = arith.index_cast %scan3A_389 : i32 to index
        %get3A_393 = arith.constant 0 : index
        %get3A_394 = tpu.vector_load %arg6[%get3A_391, %get3A_392, %get3A_393] {strides = array<i32>} : memref<2x200x64xf32, #tpu.memory_space<vmem>>, vector<1x1x16xf32>,
        %get3A_395 = vector.shape_cast %get3A_394 : vector<1x1x16xf32> to vector<16xf32>
        %mul3A_396 = arith.mulf %get3A_349, %get3A_395 : vector<16xf32>
        %mul3A_397 = arith.mulf %mul3A_350, %get3A_395 : vector<16xf32>
        %add3A_398 = arith.addf %add3A_352, %get3A_395 : vector<16xf32>
        %add3A_399 = arith.addf %add3A_353, %mul3A_396 : vector<16xf32>
        %add3A_400 = arith.addf %add3A_354, %mul3A_397 : vector<16xf32>
        %get3A_401 = arith.constant 1 : i32
        %get3A_402 = arith.index_cast %get3A_401 : i32 to index
        %get3A_403 = arith.index_cast %scan3A_389 : i32 to index
        %get3A_404 = arith.constant 16 : index
        %get3A_405 = tpu.vector_load %arg6[%get3A_402, %get3A_403, %get3A_404] {strides = array<i32>} : memref<2x200x64xf32, #tpu.memory_space<vmem>>, vector<1x1x16xf32>,
        %get3A_406 = vector.shape_cast %get3A_405 : vector<1x1x16xf32> to vector<16xf32>
        %mul3A_407 = arith.mulf %get3A_360, %get3A_406 : vector<16xf32>
        %mul3A_408 = arith.mulf %mul3A_361, %get3A_406 : vector<16xf32>
        %add3A_409 = arith.addf %add3A_363, %get3A_406 : vector<16xf32>
        %add3A_410 = arith.addf %add3A_364, %mul3A_407 : vector<16xf32>
        %add3A_411 = arith.addf %add3A_365, %mul3A_408 : vector<16xf32>
        %get3A_412 = arith.constant 1 : i32
        %get3A_413 = arith.index_cast %get3A_412 : i32 to index
        %get3A_414 = arith.index_cast %scan3A_389 : i32 to index
        %get3A_415 = arith.constant 32 : index
        %get3A_416 = tpu.vector_load %arg6[%get3A_413, %get3A_414, %get3A_415] {strides = array<i32>} : memref<2x200x64xf32, #tpu.memory_space<vmem>>, vector<1x1x16xf32>,
        %get3A_417 = vector.shape_cast %get3A_416 : vector<1x1x16xf32> to vector<16xf32>
        %mul3A_418 = arith.mulf %get3A_371, %get3A_417 : vector<16xf32>
        %mul3A_419 = arith.mulf %mul3A_372, %get3A_417 : vector<16xf32>
        %add3A_420 = arith.addf %add3A_374, %get3A_417 : vector<16xf32>
        %add3A_421 = arith.addf %add3A_375, %mul3A_418 : vector<16xf32>
        %add3A_422 = arith.addf %add3A_376, %mul3A_419 : vector<16xf32>
        %get3A_423 = arith.constant 1 : i32
        %get3A_424 = arith.index_cast %get3A_423 : i32 to index
        %get3A_425 = arith.index_cast %scan3A_389 : i32 to index
        %get3A_426 = arith.constant 48 : index
        %get3A_427 = tpu.vector_load %arg6[%get3A_424, %get3A_425, %get3A_426] {strides = array<i32>} : memref<2x200x64xf32, #tpu.memory_space<vmem>>, vector<1x1x16xf32>,
        %get3A_428 = vector.shape_cast %get3A_427 : vector<1x1x16xf32> to vector<16xf32>
        %mul3A_429 = arith.mulf %get3A_382, %get3A_428 : vector<16xf32>
        %mul3A_430 = arith.mulf %mul3A_383, %get3A_428 : vector<16xf32>
        %add3A_431 = arith.addf %add3A_385, %get3A_428 : vector<16xf32>
        %add3A_432 = arith.addf %add3A_386, %mul3A_429 : vector<16xf32>
        %add3A_433 = arith.addf %add3A_387, %mul3A_430 : vector<16xf32>
        %scan3A_434 = arith.constant 2 : i32
        %scan3A_435 = arith.addi %scan3A_324, %scan3A_434 : i32
        %get3A_436 = arith.constant 1 : i32
        %get3A_437 = arith.index_cast %get3A_436 : i32 to index
        %get3A_438 = arith.index_cast %scan3A_435 : i32 to index
        %get3A_439 = arith.constant 0 : index
        %get3A_440 = tpu.vector_load %arg6[%get3A_437, %get3A_438, %get3A_439] {strides = array<i32>} : memref<2x200x64xf32, #tpu.memory_space<vmem>>, vector<1x1x16xf32>,
        %get3A_441 = vector.shape_cast %get3A_440 : vector<1x1x16xf32> to vector<16xf32>
        %mul3A_442 = arith.mulf %get3A_395, %get3A_441 : vector<16xf32>
        %mul3A_443 = arith.mulf %mul3A_396, %get3A_441 : vector<16xf32>
        %add3A_444 = arith.addf %add3A_398, %get3A_441 : vector<16xf32>
        %add3A_445 = arith.addf %add3A_399, %mul3A_442 : vector<16xf32>
        %add3A_446 = arith.addf %add3A_400, %mul3A_443 : vector<16xf32>
        %get3A_447 = arith.constant 1 : i32
        %get3A_448 = arith.index_cast %get3A_447 : i32 to index
        %get3A_449 = arith.index_cast %scan3A_435 : i32 to index
        %get3A_450 = arith.constant 16 : index
        %get3A_451 = tpu.vector_load %arg6[%get3A_448, %get3A_449, %get3A_450] {strides = array<i32>} : memref<2x200x64xf32, #tpu.memory_space<vmem>>, vector<1x1x16xf32>,
        %get3A_452 = vector.shape_cast %get3A_451 : vector<1x1x16xf32> to vector<16xf32>
        %mul3A_453 = arith.mulf %get3A_406, %get3A_452 : vector<16xf32>
        %mul3A_454 = arith.mulf %mul3A_407, %get3A_452 : vector<16xf32>
        %add3A_455 = arith.addf %add3A_409, %get3A_452 : vector<16xf32>
        %add3A_456 = arith.addf %add3A_410, %mul3A_453 : vector<16xf32>
        %add3A_457 = arith.addf %add3A_411, %mul3A_454 : vector<16xf32>
        %get3A_458 = arith.constant 1 : i32
        %get3A_459 = arith.index_cast %get3A_458 : i32 to index
        %get3A_460 = arith.index_cast %scan3A_435 : i32 to index
        %get3A_461 = arith.constant 32 : index
        %get3A_462 = tpu.vector_load %arg6[%get3A_459, %get3A_460, %get3A_461] {strides = array<i32>} : memref<2x200x64xf32, #tpu.memory_space<vmem>>, vector<1x1x16xf32>,
        %get3A_463 = vector.shape_cast %get3A_462 : vector<1x1x16xf32> to vector<16xf32>
        %mul3A_464 = arith.mulf %get3A_417, %get3A_463 : vector<16xf32>
        %mul3A_465 = arith.mulf %mul3A_418, %get3A_463 : vector<16xf32>
        %add3A_466 = arith.addf %add3A_420, %get3A_463 : vector<16xf32>
        %add3A_467 = arith.addf %add3A_421, %mul3A_464 : vector<16xf32>
        %add3A_468 = arith.addf %add3A_422, %mul3A_465 : vector<16xf32>
        %get3A_469 = arith.constant 1 : i32
        %get3A_470 = arith.index_cast %get3A_469 : i32 to index
        %get3A_471 = arith.index_cast %scan3A_435 : i32 to index
        %get3A_472 = arith.constant 48 : index
        %get3A_473 = tpu.vector_load %arg6[%get3A_470, %get3A_471, %get3A_472] {strides = array<i32>} : memref<2x200x64xf32, #tpu.memory_space<vmem>>, vector<1x1x16xf32>,
        %get3A_474 = vector.shape_cast %get3A_473 : vector<1x1x16xf32> to vector<16xf32>
        %mul3A_475 = arith.mulf %get3A_428, %get3A_474 : vector<16xf32>
        %mul3A_476 = arith.mulf %mul3A_429, %get3A_474 : vector<16xf32>
        %add3A_477 = arith.addf %add3A_431, %get3A_474 : vector<16xf32>
        %add3A_478 = arith.addf %add3A_432, %mul3A_475 : vector<16xf32>
        %add3A_479 = arith.addf %add3A_433, %mul3A_476 : vector<16xf32>
        %scan3A_480 = arith.constant 3 : i32
        %scan3A_481 = arith.addi %scan3A_324, %scan3A_480 : i32
        %get3A_482 = arith.constant 1 : i32
        %get3A_483 = arith.index_cast %get3A_482 : i32 to index
        %get3A_484 = arith.index_cast %scan3A_481 : i32 to index
        %get3A_485 = arith.constant 0 : index
        %get3A_486 = tpu.vector_load %arg6[%get3A_483, %get3A_484, %get3A_485] {strides = array<i32>} : memref<2x200x64xf32, #tpu.memory_space<vmem>>, vector<1x1x16xf32>,
        %get3A_487 = vector.shape_cast %get3A_486 : vector<1x1x16xf32> to vector<16xf32>
        %mul3A_488 = arith.mulf %get3A_441, %get3A_487 : vector<16xf32>
        %mul3A_489 = arith.mulf %mul3A_442, %get3A_487 : vector<16xf32>
        %add3A_490 = arith.addf %add3A_444, %get3A_487 : vector<16xf32>
        %add3A_491 = arith.addf %add3A_445, %mul3A_488 : vector<16xf32>
        %add3A_492 = arith.addf %add3A_446, %mul3A_489 : vector<16xf32>
        %get3A_493 = arith.constant 1 : i32
        %get3A_494 = arith.index_cast %get3A_493 : i32 to index
        %get3A_495 = arith.index_cast %scan3A_481 : i32 to index
        %get3A_496 = arith.constant 16 : index
        %get3A_497 = tpu.vector_load %arg6[%get3A_494, %get3A_495, %get3A_496] {strides = array<i32>} : memref<2x200x64xf32, #tpu.memory_space<vmem>>, vector<1x1x16xf32>,
        %get3A_498 = vector.shape_cast %get3A_497 : vector<1x1x16xf32> to vector<16xf32>
        %mul3A_499 = arith.mulf %get3A_452, %get3A_498 : vector<16xf32>
        %mul3A_500 = arith.mulf %mul3A_453, %get3A_498 : vector<16xf32>
        %add3A_501 = arith.addf %add3A_455, %get3A_498 : vector<16xf32>
        %add3A_502 = arith.addf %add3A_456, %mul3A_499 : vector<16xf32>
        %add3A_503 = arith.addf %add3A_457, %mul3A_500 : vector<16xf32>
        %get3A_504 = arith.constant 1 : i32
        %get3A_505 = arith.index_cast %get3A_504 : i32 to index
        %get3A_506 = arith.index_cast %scan3A_481 : i32 to index
        %get3A_507 = arith.constant 32 : index
        %get3A_508 = tpu.vector_load %arg6[%get3A_505, %get3A_506, %get3A_507] {strides = array<i32>} : memref<2x200x64xf32, #tpu.memory_space<vmem>>, vector<1x1x16xf32>,
        %get3A_509 = vector.shape_cast %get3A_508 : vector<1x1x16xf32> to vector<16xf32>
        %mul3A_510 = arith.mulf %get3A_463, %get3A_509 : vector<16xf32>
        %mul3A_511 = arith.mulf %mul3A_464, %get3A_509 : vector<16xf32>
        %add3A_512 = arith.addf %add3A_466, %get3A_509 : vector<16xf32>
        %add3A_513 = arith.addf %add3A_467, %mul3A_510 : vector<16xf32>
        %add3A_514 = arith.addf %add3A_468, %mul3A_511 : vector<16xf32>
        %get3A_515 = arith.constant 1 : i32
        %get3A_516 = arith.index_cast %get3A_515 : i32 to index
        %get3A_517 = arith.index_cast %scan3A_481 : i32 to index
        %get3A_518 = arith.constant 48 : index
        %get3A_519 = tpu.vector_load %arg6[%get3A_516, %get3A_517, %get3A_518] {strides = array<i32>} : memref<2x200x64xf32, #tpu.memory_space<vmem>>, vector<1x1x16xf32>,
        %get3A_520 = vector.shape_cast %get3A_519 : vector<1x1x16xf32> to vector<16xf32>
        %mul3A_521 = arith.mulf %get3A_474, %get3A_520 : vector<16xf32>
        %mul3A_522 = arith.mulf %mul3A_475, %get3A_520 : vector<16xf32>
        %add3A_523 = arith.addf %add3A_477, %get3A_520 : vector<16xf32>
        %add3A_524 = arith.addf %add3A_478, %mul3A_521 : vector<16xf32>
        %add3A_525 = arith.addf %add3A_479, %mul3A_522 : vector<16xf32>
        %scan3A_526 = arith.constant 4 : i32
        %scan3A_527 = arith.addi %scan3A_324, %scan3A_526 : i32
        %get3A_528 = arith.constant 1 : i32
        %get3A_529 = arith.index_cast %get3A_528 : i32 to index
        %get3A_530 = arith.index_cast %scan3A_527 : i32 to index
        %get3A_531 = arith.constant 0 : index
        %get3A_532 = tpu.vector_load %arg6[%get3A_529, %get3A_530, %get3A_531] {strides = array<i32>} : memref<2x200x64xf32, #tpu.memory_space<vmem>>, vector<1x1x16xf32>,
        %get3A_533 = vector.shape_cast %get3A_532 : vector<1x1x16xf32> to vector<16xf32>
        %mul3A_534 = arith.mulf %get3A_487, %get3A_533 : vector<16xf32>
        %mul3A_535 = arith.mulf %mul3A_488, %get3A_533 : vector<16xf32>
        %add3A_536 = arith.addf %add3A_490, %get3A_533 : vector<16xf32>
        %add3A_537 = arith.addf %add3A_491, %mul3A_534 : vector<16xf32>
        %add3A_538 = arith.addf %add3A_492, %mul3A_535 : vector<16xf32>
        %get3A_539 = arith.constant 1 : i32
        %get3A_540 = arith.index_cast %get3A_539 : i32 to index
        %get3A_541 = arith.index_cast %scan3A_527 : i32 to index
        %get3A_542 = arith.constant 16 : index
        %get3A_543 = tpu.vector_load %arg6[%get3A_540, %get3A_541, %get3A_542] {strides = array<i32>} : memref<2x200x64xf32, #tpu.memory_space<vmem>>, vector<1x1x16xf32>,
        %get3A_544 = vector.shape_cast %get3A_543 : vector<1x1x16xf32> to vector<16xf32>
        %mul3A_545 = arith.mulf %get3A_498, %get3A_544 : vector<16xf32>
        %mul3A_546 = arith.mulf %mul3A_499, %get3A_544 : vector<16xf32>
        %add3A_547 = arith.addf %add3A_501, %get3A_544 : vector<16xf32>
        %add3A_548 = arith.addf %add3A_502, %mul3A_545 : vector<16xf32>
        %add3A_549 = arith.addf %add3A_503, %mul3A_546 : vector<16xf32>
        %get3A_550 = arith.constant 1 : i32
        %get3A_551 = arith.index_cast %get3A_550 : i32 to index
        %get3A_552 = arith.index_cast %scan3A_527 : i32 to index
        %get3A_553 = arith.constant 32 : index
        %get3A_554 = tpu.vector_load %arg6[%get3A_551, %get3A_552, %get3A_553] {strides = array<i32>} : memref<2x200x64xf32, #tpu.memory_space<vmem>>, vector<1x1x16xf32>,
        %get3A_555 = vector.shape_cast %get3A_554 : vector<1x1x16xf32> to vector<16xf32>
        %mul3A_556 = arith.mulf %get3A_509, %get3A_555 : vector<16xf32>
        %mul3A_557 = arith.mulf %mul3A_510, %get3A_555 : vector<16xf32>
        %add3A_558 = arith.addf %add3A_512, %get3A_555 : vector<16xf32>
        %add3A_559 = arith.addf %add3A_513, %mul3A_556 : vector<16xf32>
        %add3A_560 = arith.addf %add3A_514, %mul3A_557 : vector<16xf32>
        %get3A_561 = arith.constant 1 : i32
        %get3A_562 = arith.index_cast %get3A_561 : i32 to index
        %get3A_563 = arith.index_cast %scan3A_527 : i32 to index
        %get3A_564 = arith.constant 48 : index
        %get3A_565 = tpu.vector_load %arg6[%get3A_562, %get3A_563, %get3A_564] {strides = array<i32>} : memref<2x200x64xf32, #tpu.memory_space<vmem>>, vector<1x1x16xf32>,
        %get3A_566 = vector.shape_cast %get3A_565 : vector<1x1x16xf32> to vector<16xf32>
        %mul3A_567 = arith.mulf %get3A_520, %get3A_566 : vector<16xf32>
        %mul3A_568 = arith.mulf %mul3A_521, %get3A_566 : vector<16xf32>
        %add3A_569 = arith.addf %add3A_523, %get3A_566 : vector<16xf32>
        %add3A_570 = arith.addf %add3A_524, %mul3A_567 : vector<16xf32>
        %add3A_571 = arith.addf %add3A_525, %mul3A_568 : vector<16xf32>
        %scan3A_572 = arith.constant 5 : i32
        %scan3A_573 = arith.addi %scan3A_324, %scan3A_572 : i32
        %get3A_574 = arith.constant 1 : i32
        %get3A_575 = arith.index_cast %get3A_574 : i32 to index
        %get3A_576 = arith.index_cast %scan3A_573 : i32 to index
        %get3A_577 = arith.constant 0 : index
        %get3A_578 = tpu.vector_load %arg6[%get3A_575, %get3A_576, %get3A_577] {strides = array<i32>} : memref<2x200x64xf32, #tpu.memory_space<vmem>>, vector<1x1x16xf32>,
        %get3A_579 = vector.shape_cast %get3A_578 : vector<1x1x16xf32> to vector<16xf32>
        %mul3A_580 = arith.mulf %get3A_533, %get3A_579 : vector<16xf32>
        %mul3A_581 = arith.mulf %mul3A_534, %get3A_579 : vector<16xf32>
        %add3A_582 = arith.addf %add3A_536, %get3A_579 : vector<16xf32>
        %add3A_583 = arith.addf %add3A_537, %mul3A_580 : vector<16xf32>
        %add3A_584 = arith.addf %add3A_538, %mul3A_581 : vector<16xf32>
        %get3A_585 = arith.constant 1 : i32
        %get3A_586 = arith.index_cast %get3A_585 : i32 to index
        %get3A_587 = arith.index_cast %scan3A_573 : i32 to index
        %get3A_588 = arith.constant 16 : index
        %get3A_589 = tpu.vector_load %arg6[%get3A_586, %get3A_587, %get3A_588] {strides = array<i32>} : memref<2x200x64xf32, #tpu.memory_space<vmem>>, vector<1x1x16xf32>,
        %get3A_590 = vector.shape_cast %get3A_589 : vector<1x1x16xf32> to vector<16xf32>
        %mul3A_591 = arith.mulf %get3A_544, %get3A_590 : vector<16xf32>
        %mul3A_592 = arith.mulf %mul3A_545, %get3A_590 : vector<16xf32>
        %add3A_593 = arith.addf %add3A_547, %get3A_590 : vector<16xf32>
        %add3A_594 = arith.addf %add3A_548, %mul3A_591 : vector<16xf32>
        %add3A_595 = arith.addf %add3A_549, %mul3A_592 : vector<16xf32>
        %get3A_596 = arith.constant 1 : i32
        %get3A_597 = arith.index_cast %get3A_596 : i32 to index
        %get3A_598 = arith.index_cast %scan3A_573 : i32 to index
        %get3A_599 = arith.constant 32 : index
        %get3A_600 = tpu.vector_load %arg6[%get3A_597, %get3A_598, %get3A_599] {strides = array<i32>} : memref<2x200x64xf32, #tpu.memory_space<vmem>>, vector<1x1x16xf32>,
        %get3A_601 = vector.shape_cast %get3A_600 : vector<1x1x16xf32> to vector<16xf32>
        %mul3A_602 = arith.mulf %get3A_555, %get3A_601 : vector<16xf32>
        %mul3A_603 = arith.mulf %mul3A_556, %get3A_601 : vector<16xf32>
        %add3A_604 = arith.addf %add3A_558, %get3A_601 : vector<16xf32>
        %add3A_605 = arith.addf %add3A_559, %mul3A_602 : vector<16xf32>
        %add3A_606 = arith.addf %add3A_560, %mul3A_603 : vector<16xf32>
        %get3A_607 = arith.constant 1 : i32
        %get3A_608 = arith.index_cast %get3A_607 : i32 to index
        %get3A_609 = arith.index_cast %scan3A_573 : i32 to index
        %get3A_610 = arith.constant 48 : index
        %get3A_611 = tpu.vector_load %arg6[%get3A_608, %get3A_609, %get3A_610] {strides = array<i32>} : memref<2x200x64xf32, #tpu.memory_space<vmem>>, vector<1x1x16xf32>,
        %get3A_612 = vector.shape_cast %get3A_611 : vector<1x1x16xf32> to vector<16xf32>
        %mul3A_613 = arith.mulf %get3A_566, %get3A_612 : vector<16xf32>
        %mul3A_614 = arith.mulf %mul3A_567, %get3A_612 : vector<16xf32>
        %add3A_615 = arith.addf %add3A_569, %get3A_612 : vector<16xf32>
        %add3A_616 = arith.addf %add3A_570, %mul3A_613 : vector<16xf32>
        %add3A_617 = arith.addf %add3A_571, %mul3A_614 : vector<16xf32>
        %scan3A_618 = arith.constant 6 : i32
        %scan3A_619 = arith.addi %scan3A_324, %scan3A_618 : i32
        %get3A_620 = arith.constant 1 : i32
        %get3A_621 = arith.index_cast %get3A_620 : i32 to index
        %get3A_622 = arith.index_cast %scan3A_619 : i32 to index
        %get3A_623 = arith.constant 0 : index
        %get3A_624 = tpu.vector_load %arg6[%get3A_621, %get3A_622, %get3A_623] {strides = array<i32>} : memref<2x200x64xf32, #tpu.memory_space<vmem>>, vector<1x1x16xf32>,
        %get3A_625 = vector.shape_cast %get3A_624 : vector<1x1x16xf32> to vector<16xf32>
        %mul3A_626 = arith.mulf %get3A_579, %get3A_625 : vector<16xf32>
        %mul3A_627 = arith.mulf %mul3A_580, %get3A_625 : vector<16xf32>
        %add3A_628 = arith.addf %add3A_582, %get3A_625 : vector<16xf32>
        %add3A_629 = arith.addf %add3A_583, %mul3A_626 : vector<16xf32>
        %add3A_630 = arith.addf %add3A_584, %mul3A_627 : vector<16xf32>
        %get3A_631 = arith.constant 1 : i32
        %get3A_632 = arith.index_cast %get3A_631 : i32 to index
        %get3A_633 = arith.index_cast %scan3A_619 : i32 to index
        %get3A_634 = arith.constant 16 : index
        %get3A_635 = tpu.vector_load %arg6[%get3A_632, %get3A_633, %get3A_634] {strides = array<i32>} : memref<2x200x64xf32, #tpu.memory_space<vmem>>, vector<1x1x16xf32>,
        %get3A_636 = vector.shape_cast %get3A_635 : vector<1x1x16xf32> to vector<16xf32>
        %mul3A_637 = arith.mulf %get3A_590, %get3A_636 : vector<16xf32>
        %mul3A_638 = arith.mulf %mul3A_591, %get3A_636 : vector<16xf32>
        %add3A_639 = arith.addf %add3A_593, %get3A_636 : vector<16xf32>
        %add3A_640 = arith.addf %add3A_594, %mul3A_637 : vector<16xf32>
        %add3A_641 = arith.addf %add3A_595, %mul3A_638 : vector<16xf32>
        %get3A_642 = arith.constant 1 : i32
        %get3A_643 = arith.index_cast %get3A_642 : i32 to index
        %get3A_644 = arith.index_cast %scan3A_619 : i32 to index
        %get3A_645 = arith.constant 32 : index
        %get3A_646 = tpu.vector_load %arg6[%get3A_643, %get3A_644, %get3A_645] {strides = array<i32>} : memref<2x200x64xf32, #tpu.memory_space<vmem>>, vector<1x1x16xf32>,
        %get3A_647 = vector.shape_cast %get3A_646 : vector<1x1x16xf32> to vector<16xf32>
        %mul3A_648 = arith.mulf %get3A_601, %get3A_647 : vector<16xf32>
        %mul3A_649 = arith.mulf %mul3A_602, %get3A_647 : vector<16xf32>
        %add3A_650 = arith.addf %add3A_604, %get3A_647 : vector<16xf32>
        %add3A_651 = arith.addf %add3A_605, %mul3A_648 : vector<16xf32>
        %add3A_652 = arith.addf %add3A_606, %mul3A_649 : vector<16xf32>
        %get3A_653 = arith.constant 1 : i32
        %get3A_654 = arith.index_cast %get3A_653 : i32 to index
        %get3A_655 = arith.index_cast %scan3A_619 : i32 to index
        %get3A_656 = arith.constant 48 : index
        %get3A_657 = tpu.vector_load %arg6[%get3A_654, %get3A_655, %get3A_656] {strides = array<i32>} : memref<2x200x64xf32, #tpu.memory_space<vmem>>, vector<1x1x16xf32>,
        %get3A_658 = vector.shape_cast %get3A_657 : vector<1x1x16xf32> to vector<16xf32>
        %mul3A_659 = arith.mulf %get3A_612, %get3A_658 : vector<16xf32>
        %mul3A_660 = arith.mulf %mul3A_613, %get3A_658 : vector<16xf32>
        %add3A_661 = arith.addf %add3A_615, %get3A_658 : vector<16xf32>
        %add3A_662 = arith.addf %add3A_616, %mul3A_659 : vector<16xf32>
        %add3A_663 = arith.addf %add3A_617, %mul3A_660 : vector<16xf32>
        %scan3A_664 = arith.constant 7 : i32
        %scan3A_665 = arith.addi %scan3A_324, %scan3A_664 : i32
        %get3A_666 = arith.constant 1 : i32
        %get3A_667 = arith.index_cast %get3A_666 : i32 to index
        %get3A_668 = arith.index_cast %scan3A_665 : i32 to index
        %get3A_669 = arith.constant 0 : index
        %get3A_670 = tpu.vector_load %arg6[%get3A_667, %get3A_668, %get3A_669] {strides = array<i32>} : memref<2x200x64xf32, #tpu.memory_space<vmem>>, vector<1x1x16xf32>,
        %get3A_671 = vector.shape_cast %get3A_670 : vector<1x1x16xf32> to vector<16xf32>
        %mul3A_672 = arith.mulf %get3A_625, %get3A_671 : vector<16xf32>
        %mul3A_673 = arith.mulf %mul3A_626, %get3A_671 : vector<16xf32>
        %add3A_674 = arith.addf %add3A_628, %get3A_671 : vector<16xf32>
        %add3A_675 = arith.addf %add3A_629, %mul3A_672 : vector<16xf32>
        %add3A_676 = arith.addf %add3A_630, %mul3A_673 : vector<16xf32>
        %get3A_677 = arith.constant 1 : i32
        %get3A_678 = arith.index_cast %get3A_677 : i32 to index
        %get3A_679 = arith.index_cast %scan3A_665 : i32 to index
        %get3A_680 = arith.constant 16 : index
        %get3A_681 = tpu.vector_load %arg6[%get3A_678, %get3A_679, %get3A_680] {strides = array<i32>} : memref<2x200x64xf32, #tpu.memory_space<vmem>>, vector<1x1x16xf32>,
        %get3A_682 = vector.shape_cast %get3A_681 : vector<1x1x16xf32> to vector<16xf32>
        %mul3A_683 = arith.mulf %get3A_636, %get3A_682 : vector<16xf32>
        %mul3A_684 = arith.mulf %mul3A_637, %get3A_682 : vector<16xf32>
        %add3A_685 = arith.addf %add3A_639, %get3A_682 : vector<16xf32>
        %add3A_686 = arith.addf %add3A_640, %mul3A_683 : vector<16xf32>
        %add3A_687 = arith.addf %add3A_641, %mul3A_684 : vector<16xf32>
        %get3A_688 = arith.constant 1 : i32
        %get3A_689 = arith.index_cast %get3A_688 : i32 to index
        %get3A_690 = arith.index_cast %scan3A_665 : i32 to index
        %get3A_691 = arith.constant 32 : index
        %get3A_692 = tpu.vector_load %arg6[%get3A_689, %get3A_690, %get3A_691] {strides = array<i32>} : memref<2x200x64xf32, #tpu.memory_space<vmem>>, vector<1x1x16xf32>,
        %get3A_693 = vector.shape_cast %get3A_692 : vector<1x1x16xf32> to vector<16xf32>
        %mul3A_694 = arith.mulf %get3A_647, %get3A_693 : vector<16xf32>
        %mul3A_695 = arith.mulf %mul3A_648, %get3A_693 : vector<16xf32>
        %add3A_696 = arith.addf %add3A_650, %get3A_693 : vector<16xf32>
        %add3A_697 = arith.addf %add3A_651, %mul3A_694 : vector<16xf32>
        %add3A_698 = arith.addf %add3A_652, %mul3A_695 : vector<16xf32>
        %get3A_699 = arith.constant 1 : i32
        %get3A_700 = arith.index_cast %get3A_699 : i32 to index
        %get3A_701 = arith.index_cast %scan3A_665 : i32 to index
        %get3A_702 = arith.constant 48 : index
        %get3A_703 = tpu.vector_load %arg6[%get3A_700, %get3A_701, %get3A_702] {strides = array<i32>} : memref<2x200x64xf32, #tpu.memory_space<vmem>>, vector<1x1x16xf32>,
        %get3A_704 = vector.shape_cast %get3A_703 : vector<1x1x16xf32> to vector<16xf32>
        %mul3A_705 = arith.mulf %get3A_658, %get3A_704 : vector<16xf32>
        %mul3A_706 = arith.mulf %mul3A_659, %get3A_704 : vector<16xf32>
        %add3A_707 = arith.addf %add3A_661, %get3A_704 : vector<16xf32>
        %add3A_708 = arith.addf %add3A_662, %mul3A_705 : vector<16xf32>
        %add3A_709 = arith.addf %add3A_663, %mul3A_706 : vector<16xf32>
        scf.yield %get3A_671, %mul3A_672, %add3A_674, %add3A_675, %add3A_676, %get3A_682, %mul3A_683, %add3A_685, %add3A_686, %add3A_687, %get3A_693, %mul3A_694, %add3A_696, %add3A_697, %add3A_698, %get3A_704, %mul3A_705, %add3A_707, %add3A_708, %add3A_709 : vector<16xf32>, vector<16xf32>, vector<16xf32>, vector<16xf32>, vector<16xf32>, vector<16xf32>, vector<16xf32>, vector<16xf32>, vector<16xf32>, vector<16xf32>, vector<16xf32>, vector<16xf32>, vector<16xf32>, vector<16xf32>, vector<16xf32>, vector<16xf32>, vector<16xf32>, vector<16xf32>, vector<16xf32>, vector<16xf32>
      }
      %scan3A_227 = arith.constant 200 : i32
      %mul3A_228 = arith.constant 5.000000e-03 : f32
      %mul3A_229 = vector.broadcast %mul3A_228 : f32 to vector<16xf32>
      %mul3A_230 = arith.mulf %scan3A_226#2, %mul3A_229 : vector<16xf32>
      %swap3A_231 = arith.index_cast %add3A_219 : i32 to index
      %swap3A_232 = arith.constant 0 : index
      %swap3A_233 = tpu.vector_load %arg7[%swap3A_231, %swap3A_232] {strides = array<i32>} : memref<128x192xf32, #tpu.memory_space<vmem>>, vector<1x16xf32>,
      %swap3A_234 = vector.shape_cast %swap3A_233 : vector<1x16xf32> to vector<16xf32>
      %swap3A_235 = vector.shape_cast %mul3A_230 : vector<16xf32> to vector<1x16xf32>
      tpu.vector_store %arg7[%swap3A_231, %swap3A_232], %swap3A_235 {strides = array<i32>} : memref<128x192xf32, #tpu.memory_space<vmem>>, vector<1x16xf32>,
      %mul3A_236 = arith.constant 0.00502512557 : f32
      %mul3A_237 = vector.broadcast %mul3A_236 : f32 to vector<16xf32>
      %mul3A_238 = arith.mulf %scan3A_226#3, %mul3A_237 : vector<16xf32>
      %swap3A_239 = arith.index_cast %add3A_219 : i32 to index
      %swap3A_240 = arith.constant 64 : index
      %swap3A_241 = tpu.vector_load %arg7[%swap3A_239, %swap3A_240] {strides = array<i32>} : memref<128x192xf32, #tpu.memory_space<vmem>>, vector<1x16xf32>,
      %swap3A_242 = vector.shape_cast %swap3A_241 : vector<1x16xf32> to vector<16xf32>
      %swap3A_243 = vector.shape_cast %mul3A_238 : vector<16xf32> to vector<1x16xf32>
      tpu.vector_store %arg7[%swap3A_239, %swap3A_240], %swap3A_243 {strides = array<i32>} : memref<128x192xf32, #tpu.memory_space<vmem>>, vector<1x16xf32>,
      %mul3A_244 = arith.constant 0.00505050505 : f32
      %mul3A_245 = vector.broadcast %mul3A_244 : f32 to vector<16xf32>
      %mul3A_246 = arith.mulf %scan3A_226#4, %mul3A_245 : vector<16xf32>
      %swap3A_247 = arith.index_cast %add3A_219 : i32 to index
      %swap3A_248 = arith.constant 128 : index
      %swap3A_249 = tpu.vector_load %arg7[%swap3A_247, %swap3A_248] {strides = array<i32>} : memref<128x192xf32, #tpu.memory_space<vmem>>, vector<1x16xf32>,
      %swap3A_250 = vector.shape_cast %swap3A_249 : vector<1x16xf32> to vector<16xf32>
      %swap3A_251 = vector.shape_cast %mul3A_246 : vector<16xf32> to vector<1x16xf32>
      tpu.vector_store %arg7[%swap3A_247, %swap3A_248], %swap3A_251 {strides = array<i32>} : memref<128x192xf32, #tpu.memory_space<vmem>>, vector<1x16xf32>,
      %mul3A_252 = arith.constant 5.000000e-03 : f32
      %mul3A_253 = vector.broadcast %mul3A_252 : f32 to vector<16xf32>
      %mul3A_254 = arith.mulf %scan3A_226#7, %mul3A_253 : vector<16xf32>
      %swap3A_255 = arith.index_cast %add3A_219 : i32 to index
      %swap3A_256 = arith.constant 16 : index
      %swap3A_257 = tpu.vector_load %arg7[%swap3A_255, %swap3A_256] {strides = array<i32>} : memref<128x192xf32, #tpu.memory_space<vmem>>, vector<1x16xf32>,
      %swap3A_258 = vector.shape_cast %swap3A_257 : vector<1x16xf32> to vector<16xf32>
      %swap3A_259 = vector.shape_cast %mul3A_254 : vector<16xf32> to vector<1x16xf32>
      tpu.vector_store %arg7[%swap3A_255, %swap3A_256], %swap3A_259 {strides = array<i32>} : memref<128x192xf32, #tpu.memory_space<vmem>>, vector<1x16xf32>,
      %mul3A_260 = arith.constant 0.00502512557 : f32
      %mul3A_261 = vector.broadcast %mul3A_260 : f32 to vector<16xf32>
      %mul3A_262 = arith.mulf %scan3A_226#8, %mul3A_261 : vector<16xf32>
      %swap3A_263 = arith.index_cast %add3A_219 : i32 to index
      %swap3A_264 = arith.constant 80 : index
      %swap3A_265 = tpu.vector_load %arg7[%swap3A_263, %swap3A_264] {strides = array<i32>} : memref<128x192xf32, #tpu.memory_space<vmem>>, vector<1x16xf32>,
      %swap3A_266 = vector.shape_cast %swap3A_265 : vector<1x16xf32> to vector<16xf32>
      %swap3A_267 = vector.shape_cast %mul3A_262 : vector<16xf32> to vector<1x16xf32>
      tpu.vector_store %arg7[%swap3A_263, %swap3A_264], %swap3A_267 {strides = array<i32>} : memref<128x192xf32, #tpu.memory_space<vmem>>, vector<1x16xf32>,
      %mul3A_268 = arith.constant 0.00505050505 : f32
      %mul3A_269 = vector.broadcast %mul3A_268 : f32 to vector<16xf32>
      %mul3A_270 = arith.mulf %scan3A_226#9, %mul3A_269 : vector<16xf32>
      %swap3A_271 = arith.index_cast %add3A_219 : i32 to index
      %swap3A_272 = arith.constant 144 : index
      %swap3A_273 = tpu.vector_load %arg7[%swap3A_271, %swap3A_272] {strides = array<i32>} : memref<128x192xf32, #tpu.memory_space<vmem>>, vector<1x16xf32>,
      %swap3A_274 = vector.shape_cast %swap3A_273 : vector<1x16xf32> to vector<16xf32>
      %swap3A_275 = vector.shape_cast %mul3A_270 : vector<16xf32> to vector<1x16xf32>
      tpu.vector_store %arg7[%swap3A_271, %swap3A_272], %swap3A_275 {strides = array<i32>} : memref<128x192xf32, #tpu.memory_space<vmem>>, vector<1x16xf32>,
      %mul3A_276 = arith.constant 5.000000e-03 : f32
      %mul3A_277 = vector.broadcast %mul3A_276 : f32 to vector<16xf32>
      %mul3A_278 = arith.mulf %scan3A_226#12, %mul3A_277 : vector<16xf32>
      %swap3A_279 = arith.index_cast %add3A_219 : i32 to index
      %swap3A_280 = arith.constant 32 : index
      %swap3A_281 = tpu.vector_load %arg7[%swap3A_279, %swap3A_280] {strides = array<i32>} : memref<128x192xf32, #tpu.memory_space<vmem>>, vector<1x16xf32>,
      %swap3A_282 = vector.shape_cast %swap3A_281 : vector<1x16xf32> to vector<16xf32>
      %swap3A_283 = vector.shape_cast %mul3A_278 : vector<16xf32> to vector<1x16xf32>
      tpu.vector_store %arg7[%swap3A_279, %swap3A_280], %swap3A_283 {strides = array<i32>} : memref<128x192xf32, #tpu.memory_space<vmem>>, vector<1x16xf32>,
      %mul3A_284 = arith.constant 0.00502512557 : f32
      %mul3A_285 = vector.broadcast %mul3A_284 : f32 to vector<16xf32>
      %mul3A_286 = arith.mulf %scan3A_226#13, %mul3A_285 : vector<16xf32>
      %swap3A_287 = arith.index_cast %add3A_219 : i32 to index
      %swap3A_288 = arith.constant 96 : index
      %swap3A_289 = tpu.vector_load %arg7[%swap3A_287, %swap3A_288] {strides = array<i32>} : memref<128x192xf32, #tpu.memory_space<vmem>>, vector<1x16xf32>,
      %swap3A_290 = vector.shape_cast %swap3A_289 : vector<1x16xf32> to vector<16xf32>
      %swap3A_291 = vector.shape_cast %mul3A_286 : vector<16xf32> to vector<1x16xf32>
      tpu.vector_store %arg7[%swap3A_287, %swap3A_288], %swap3A_291 {strides = array<i32>} : memref<128x192xf32, #tpu.memory_space<vmem>>, vector<1x16xf32>,
      %mul3A_292 = arith.constant 0.00505050505 : f32
      %mul3A_293 = vector.broadcast %mul3A_292 : f32 to vector<16xf32>
      %mul3A_294 = arith.mulf %scan3A_226#14, %mul3A_293 : vector<16xf32>
      %swap3A_295 = arith.index_cast %add3A_219 : i32 to index
      %swap3A_296 = arith.constant 160 : index
      %swap3A_297 = tpu.vector_load %arg7[%swap3A_295, %swap3A_296] {strides = array<i32>} : memref<128x192xf32, #tpu.memory_space<vmem>>, vector<1x16xf32>,
      %swap3A_298 = vector.shape_cast %swap3A_297 : vector<1x16xf32> to vector<16xf32>
      %swap3A_299 = vector.shape_cast %mul3A_294 : vector<16xf32> to vector<1x16xf32>
      tpu.vector_store %arg7[%swap3A_295, %swap3A_296], %swap3A_299 {strides = array<i32>} : memref<128x192xf32, #tpu.memory_space<vmem>>, vector<1x16xf32>,
      %mul3A_300 = arith.constant 5.000000e-03 : f32
      %mul3A_301 = vector.broadcast %mul3A_300 : f32 to vector<16xf32>
      %mul3A_302 = arith.mulf %scan3A_226#17, %mul3A_301 : vector<16xf32>
      %swap3A_303 = arith.index_cast %add3A_219 : i32 to index
      %swap3A_304 = arith.constant 48 : index
      %swap3A_305 = tpu.vector_load %arg7[%swap3A_303, %swap3A_304] {strides = array<i32>} : memref<128x192xf32, #tpu.memory_space<vmem>>, vector<1x16xf32>,
      %swap3A_306 = vector.shape_cast %swap3A_305 : vector<1x16xf32> to vector<16xf32>
      %swap3A_307 = vector.shape_cast %mul3A_302 : vector<16xf32> to vector<1x16xf32>
      tpu.vector_store %arg7[%swap3A_303, %swap3A_304], %swap3A_307 {strides = array<i32>} : memref<128x192xf32, #tpu.memory_space<vmem>>, vector<1x16xf32>,
      %mul3A_308 = arith.constant 0.00502512557 : f32
      %mul3A_309 = vector.broadcast %mul3A_308 : f32 to vector<16xf32>
      %mul3A_310 = arith.mulf %scan3A_226#18, %mul3A_309 : vector<16xf32>
      %swap3A_311 = arith.index_cast %add3A_219 : i32 to index
      %swap3A_312 = arith.constant 112 : index
      %swap3A_313 = tpu.vector_load %arg7[%swap3A_311, %swap3A_312] {strides = array<i32>} : memref<128x192xf32, #tpu.memory_space<vmem>>, vector<1x16xf32>,
      %swap3A_314 = vector.shape_cast %swap3A_313 : vector<1x16xf32> to vector<16xf32>
      %swap3A_315 = vector.shape_cast %mul3A_310 : vector<16xf32> to vector<1x16xf32>
      tpu.vector_store %arg7[%swap3A_311, %swap3A_312], %swap3A_315 {strides = array<i32>} : memref<128x192xf32, #tpu.memory_space<vmem>>, vector<1x16xf32>,
      %mul3A_316 = arith.constant 0.00505050505 : f32
      %mul3A_317 = vector.broadcast %mul3A_316 : f32 to vector<16xf32>
      %mul3A_318 = arith.mulf %scan3A_226#19, %mul3A_317 : vector<16xf32>
      %swap3A_319 = arith.index_cast %add3A_219 : i32 to index
      %swap3A_320 = arith.constant 176 : index
      %swap3A_321 = tpu.vector_load %arg7[%swap3A_319, %swap3A_320] {strides = array<i32>} : memref<128x192xf32, #tpu.memory_space<vmem>>, vector<1x16xf32>,
      %swap3A_322 = vector.shape_cast %swap3A_321 : vector<1x16xf32> to vector<16xf32>
      %swap3A_323 = vector.shape_cast %mul3A_318 : vector<16xf32> to vector<1x16xf32>
      tpu.vector_store %arg7[%swap3A_319, %swap3A_320], %swap3A_323 {strides = array<i32>} : memref<128x192xf32, #tpu.memory_space<vmem>>, vector<1x16xf32>,
    }
    %scan3A_31 = arith.constant 64 : i32
    "tpu.region"() ({
      %run_scoped3A = tpu.sem_alloc : memref<!tpu.dma_semaphore, #tpu.memory_space<semaphore_mem>>
      %dma_start3A_32 = arith.constant 0 : i32
      %dma_start3A_33 = tpu.memref_slice %arg4[%mul3A_2, %dma_start3A_32] : memref<4096x192xf32, #tpu.memory_space<hbm>> -> memref<128x192xf32, #tpu.memory_space<hbm>>
      %dma_start3A_34 = arith.constant 0 : i32
      %dma_start3A_35 = tpu.memref_slice %arg4[%mul3A_2, %dma_start3A_34] : memref<4096x192xf32, #tpu.memory_space<hbm>> -> memref<128x192xf32, #tpu.memory_space<hbm>>
      tpu.enqueue_dma source(%arg7 : memref<128x192xf32, #tpu.memory_space<vmem>>) target(%dma_start3A_35 : memref<128x192xf32, #tpu.memory_space<hbm>>) target_semaphore(%run_scoped3A : memref<!tpu.dma_semaphore, #tpu.memory_space<semaphore_mem>>)
      %dma_wait3A = arith.constant 0 : i32
      %dma_wait3A_36 = tpu.memref_slice %arg4[%mul3A_2, %dma_wait3A] : memref<4096x192xf32, #tpu.memory_space<hbm>> -> memref<128x192xf32, #tpu.memory_space<hbm>>
      %dma_wait3A_37 = arith.constant 0 : i32
      %dma_wait3A_38 = tpu.memref_slice %arg4[%mul3A_2, %dma_wait3A_37] : memref<4096x192xf32, #tpu.memory_space<hbm>> -> memref<128x192xf32, #tpu.memory_space<hbm>>
      tpu.wait_dma2 semaphore(%run_scoped3A : memref<!tpu.dma_semaphore, #tpu.memory_space<semaphore_mem>>) src(%arg7 : memref<128x192xf32, #tpu.memory_space<vmem>>) dst(%dma_wait3A_38 : memref<128x192xf32, #tpu.memory_space<hbm>>)
      tpu.yield
    }) : () -> ()
    return
  }
}

module attributes {stable_mosaic.version = 14 : i64} {
  func.func @body(%arg0: i32, %arg1: memref<64x32768xf32, #tpu.memory_space<vmem>>, %arg2: memref<16384x128xf32, #tpu.memory_space<vmem>>) attributes {dimension_semantics = [#tpu.dimension_semantics<parallel>], iteration_bounds = array<i64: 31>, scalar_prefetch = 0 : i64, scratch_operands = 0 : i64, tpu.core_type = #tpu.core_type<tc>, window_params = [{transform_indices = @transform_0, window_bounds = array<i64: 64, 32768>}, {transform_indices = @transform_1, window_bounds = array<i64: 16384, 128>}]} {
    %get3A = arith.constant 0 : index
    %get3A_0 = arith.constant 0 : index
    %get3A_1 = vector.load %arg1[%get3A, %get3A_0] : memref<64x32768xf32, #tpu.memory_space<vmem>>, vector<64x32768xf32>
    %transpose3A = tpu.transpose %get3A_1, [1, 0] : vector<64x32768xf32> -> vector<32768x64xf32>
    %slice3A = vector.extract_strided_slice %transpose3A {offsets = [0, 0], sizes = [16384, 64], strides = [1, 1]} : vector<32768x64xf32> to vector<16384x64xf32>
    %slice3A_2 = vector.extract_strided_slice %transpose3A {offsets = [16384, 0], sizes = [16384, 64], strides = [1, 1]} : vector<32768x64xf32> to vector<16384x64xf32>
    %concatenate3A = tpu.concatenate %slice3A, %slice3A_2 in 1 : vector<16384x64xf32>, vector<16384x64xf32> -> vector<16384x128xf32>
    %swap3A = arith.constant 0 : index
    %swap3A_3 = arith.constant 0 : index
    %swap3A_4 = vector.load %arg2[%swap3A, %swap3A_3] : memref<16384x128xf32, #tpu.memory_space<vmem>>, vector<16384x128xf32>
    tpu.vector_store %arg2[%swap3A, %swap3A_3], %concatenate3A {strides = array<i32>} : memref<16384x128xf32, #tpu.memory_space<vmem>>, vector<16384x128xf32>,
    return
  }
  func.func @transform_0(%arg0: i32) -> (i32, i32) {
    %c0_i32 = arith.constant 0 : i32
    %c0_i32_0 = arith.constant 0 : i32
    return %c0_i32, %arg0 : i32, i32
  }
  func.func @transform_1(%arg0: i32) -> (i32, i32) {
    %c0_i32 = arith.constant 0 : i32
    %c0_i32_0 = arith.constant 0 : i32
    return %arg0, %c0_i32 : i32, i32
  }
}

</mosaic_0001>

<sc_bundles>
// kernel: kernel.4.cloned.1.call-start
scs
__scs_entry_jumppad:
0x0: {  	(pc) =	sbr.rel $0x88, $3  }
0x1: {  	(tag) =	ssettag $0x0;
	lr =	simm.s32 $0x1  }
0x2: {  	[smem:$0x3F9F] =	sst lr;
	_ =	strace $0xD0000000  }
0x3: {  	_ = 	snop  }
0x4: {  	_ = 	snop  }
0x5: {  	_ = 	snop  }
0x6: {  	_ = 	snop  }
0x7: {  	_ = 	snop  }
__scs_overlays_trampoline_lowered:
0x8: {  	[smem:$0x3FAE] =	sst s0  }
0x9: {  	[smem:$0x3FAF] =	sst s1  }
0xa: {  	[smem:$0x3FB0] =	sst s2  }
0xb: {  	[smem:$0x3FB1] =	sst s3  }
0xc: {  	[smem:$0x3FB2] =	sst s4  }
0xd: {  	[smem:$0x3FB3] =	sst s5  }
0xe: {  	[smem:$0x3FB4] =	sst s6  }
0xf: {  	[smem:$0x3FB5] =	sst s7  }
0x10: {  	[smem:$0x3FB6] =	sst s8  }
0x11: {  	[smem:$0x3FB7] =	sst s9;
	s0 =	simm.s32 @!p0 $0x0  }
0x12: {  	s1 =	sld [smem:$0x3F9D];
	s0 =	simm.s32 @p0 $0x1  }
0x13: {  	[smem:$0x3FB8] =	sst s0;
	s0 =	simm.s32 @!p1 $0x0  }
0x14: {  	s2 =	sld [smem:$0x3F9C];
	s0 =	simm.s32 @p1 $0x1  }
0x15: {  	[smem:$0x3FB9] =	sst s0;
	s0 =	simm.s32 @!p2 $0x0  }
0x16: {  	s3 =	sld [smem:$0x3FDB];
	s0 =	simm.s32 @p2 $0x1  }
0x17: {  	s4 =	simm.s32 $0x1BF5;
	[smem:$0x3FBB] =	sst s0  }
0x18: {  	s0 =	sld [smem:$0x3F9E];
	_ =	swait.ge [sflag:s4], $0x0  }
0x19: {  	s7 =	sld [smem:$0x3F9F]  }
0x1a: {  	s8 =	sadd.s32 $0xFFFFE003, lr  }
0x1b: {  	s9 =	sadd.s32 $0xFFFFFEF7, lr;
	s5 =	simm.s32 $0xFFFFFFFF;
	p2 =	slt.u32 s8, $0xFFFFF086  }
0x1c: {  	p1 =	slt.u32 s9, $0xF7A;
	s5 =	simm.s32 @!p2 $0x0  }
0x1d: {  	s5 =	simm.s32 @p1 $0x1;
	p0 =	seq.s32 s7, s2  }
0x1e: {  	s7 =	smul.u32 @!p0 $0xF7A, s2;
	p2 =	seq.s32 @!p0 s5, $0x0  }
0x1f: {  	s9 =	smul.u32 $0xF7A, s1;
	s8 =	simm.s32 @!p0 $0x1BF5;
	p2 =	por !p2, p0  }
0x20: {  	[sflag:s8] =	ssyncset.s32 @!p0 $0xFFFFF086;
	s6 =	sadd.s32 @!p0 s3, s7;
	s7 =	simm.s32 @!p0 $0x108  }
0x21: {  	s3 =	sadd.s32 s3, s9;
	s6 =	sadd.s32 @!p0 $0x88, s6;
	s7 =	simm.s32 @p2 $0x1082  }
0x22: {  	[simem:s7], [sflag:s8] =	dma.local @!p0 [hbm:s6], $0xF7A  }
0x23: {  	s9 =	sor.u32 $0xD0000000, s2;
	s6 =	simm.s32 $0x108;
	_ =	swait.ge @!p0 [sflag:s8], $0x0  }
0x24: {  	s3 =	sadd.s32 $0x88, s3;
	s6 =	simm.s32 @!p1 $0x1082;
	[sflag:s4] =	ssyncset.s32 $0xFFFFF086  }
0x25: {  	[simem:s6], [sflag:s4] =	dma.local [hbm:s3], $0xF7A  }
0x26: {  	[smem:$0x3F9F] =	sst s1;
	(tag) =	ssettag s2;
	_ =	strace s9  }
0x27: {  	s1 =	sld [smem:$0x3FAF]  }
0x28: {  	s2 =	sld [smem:$0x3FB0]  }
0x29: {  	s4 =	sld [smem:$0x3FB2]  }
0x2a: {  	p0 =	seq.s32 s5, $0x0;
	s5 =	sld [smem:$0x3FB3]  }
0x2b: {  	s6 =	sld [smem:$0x3FB4]  }
0x2c: {  	s7 =	sld [smem:$0x3FB5]  }
0x2d: {  	s3 =	simm.s32 $0x108;
	s8 =	sld [smem:$0x3FB6]  }
0x2e: {  	s3 =	simm.s32 @!p0 $0x1082;
	s9 =	sld [smem:$0x3FB7]  }
0x2f: {  	lr =	sadd.s32 s0, s3;
	s0 =	sld [smem:$0x3FAE]  }
0x30: {  	s3 =	sld [smem:$0x3FB1]  }
0x31: {  	[smem:$0x3FBA] =	sst s10  }
0x32: {  	s10 =	sld [smem:$0x3FB8];
	_ =	sdelay $0x3  }
0x33: {  	p0 =	seq.s32 s10, $0x1;
	s10 =	sld [smem:$0x3FBA];
	_ =	sdelay $0x3  }
0x34: {  	[smem:$0x3FBA] =	sst s10  }
0x35: {  	s10 =	sld [smem:$0x3FB9];
	_ =	sdelay $0x3  }
0x36: {  	p1 =	seq.s32 s10, $0x1;
	s10 =	sld [smem:$0x3FBA];
	_ =	sdelay $0x3  }
0x37: {  	[smem:$0x3FBA] =	sst s10  }
0x38: {  	s10 =	sld [smem:$0x3FBB]  }
0x39: {  	_ = 	snop;
	(pc) =	sbr.ind lr, $3  }
0x3a: {  	_ = 	snop  }
0x3b: {  	_ = 	snop  }
0x3c: {  	p2 =	seq.s32 s10, $0x1;
	s10 =	sld [smem:$0x3FBA]  }
0x3d: {  	_ =	shalt  }
0x3e: {  	_ =	shalt  }
0x3f: {  	_ =	shalt  }
0x40: {  	_ =	shalt  }
0x41: {  	_ =	shalt  }
0x42: {  	_ =	shalt  }
0x43: {  	_ =	shalt  }
0x44: {  	_ =	shalt  }
0x45: {  	_ =	shalt  }
0x46: {  	_ =	shalt  }
0x47: {  	_ =	shalt  }
0x48: {  	_ =	shalt  }
0x49: {  	_ =	shalt  }
0x4a: {  	_ =	shalt  }
0x4b: {  	_ =	shalt  }
0x4c: {  	_ =	shalt  }
0x4d: {  	_ =	shalt  }
0x4e: {  	_ =	shalt  }
0x4f: {  	_ =	shalt  }
0x50: {  	_ =	shalt  }
0x51: {  	_ =	shalt  }
0x52: {  	_ =	shalt  }
0x53: {  	_ =	shalt  }
0x54: {  	_ =	shalt  }
0x55: {  	_ =	shalt  }
0x56: {  	_ =	shalt  }
0x57: {  	_ =	shalt  }
0x58: {  	_ =	shalt  }
0x59: {  	_ =	shalt  }
0x5a: {  	_ =	shalt  }
0x5b: {  	_ =	shalt  }
0x5c: {  	_ =	shalt  }
0x5d: {  	_ =	shalt  }
0x5e: {  	_ =	shalt  }
0x5f: {  	_ =	shalt  }
0x60: {  	_ =	shalt  }
0x61: {  	_ =	shalt  }
0x62: {  	_ =	shalt  }
0x63: {  	_ =	shalt  }
0x64: {  	_ =	shalt  }
0x65: {  	_ =	shalt  }
0x66: {  	_ =	shalt  }
0x67: {  	_ =	shalt  }
0x68: {  	_ =	shalt  }
0x69: {  	_ =	shalt  }
0x6a: {  	_ =	shalt  }
0x6b: {  	_ =	shalt  }
0x6c: {  	_ =	shalt  }
0x6d: {  	_ =	shalt  }
0x6e: {  	_ =	shalt  }
0x6f: {  	_ =	shalt  }
0x70: {  	_ =	shalt  }
0x71: {  	_ =	shalt  }
0x72: {  	_ =	shalt  }
0x73: {  	_ =	shalt  }
0x74: {  	_ =	shalt  }
0x75: {  	_ =	shalt  }
0x76: {  	_ =	shalt  }
0x77: {  	_ =	shalt  }
0x78: {  	_ =	shalt  }
0x79: {  	_ =	shalt  }
0x7a: {  	_ =	shalt  }
0x7b: {  	_ =	shalt  }
0x7c: {  	_ =	shalt  }
0x7d: {  	_ =	shalt  }
0x7e: {  	_ =	shalt  }
0x7f: {  	_ =	shalt  }
0x80: {  	_ =	shalt  }
0x81: {  	_ =	shalt  }
0x82: {  	_ =	shalt  }
0x83: {  	_ =	shalt  }
0x84: {  	_ =	shalt  }
0x85: {  	_ =	shalt  }
0x86: {  	_ =	shalt  }
0x87: {  	_ =	shalt  }
.Lfunc_end0:
.L_simem_size_0:
called_computation_lowered:
.L_overlay_start_0:
0x88: {  	s2 =	sld [smem:$0x3FD9]  }
0x89: {  	s3 =	sld [smem:$0x3FFE];
	_ =	sdelay $0x1  }
0x8a: {  	s1 =	srdreg.scid  }
0x8b: {  	s0 =	sand.u32 $0x1, s1  }
0x8c: {  	s17 =	sshll.u32 s0, $0xA;
	s2 =	sadd.s32 s3, s2  }
0x8d: {  	s2 =	sadd.s32 s2, s17  }
0x8e: {  	[smem:$0x3FC6] =	sst s2  }
0x8f: {  	_ = 	snop  }
0x90: {  	s2 =	sld [smem:$0x3FD0];
	(tm) =	ssettm $0x1  }
0x91: {  	s18 =	sld [smem:$0x3FFB];
	_ =	sdelay $0x3  }
0x92: {  	_ =	strace s18  }
0x93: {  	s3 =	sld [smem:$0x3FFC];
	_ =	sdelay $0x3  }
0x94: {  	_ =	strace s3  }
0x95: {  	s3 =	sld [smem:$0x3FFD];
	_ =	sdelay $0x3  }
0x96: {  	_ =	strace s3  }
0x97: {  	_ =	strace $0x8FFFFFFF  }
0x98: {  	s19 =	sld [smem:$0x3FDB];
	_ =	sdelay $0x1  }
0x99: {  	s4 =	simm.s32 $_scs_section_size  }
0x9a: {  	s5 =	simm.s32 $_size__tile_overlayer_lowered;
	s6 =	simm.s32 $_tile_overlayer_lowered  }
0x9b: {  	s22 =	simm.s32 $0x1BFF;
	s21 =	sshll.u32 s6, $0x1;
	s3 =	sadd.s32 s4, s19  }
0x9c: {  	s7 =	simm.s32 $0x0;
	s20 =	sshll.u32 s5, $0x1;
	s5 =	sadd.s32 s21, s3  }
0x9d: {  	[timem:s7], [sflag:s22] =	dma.local [hbm:s5], s20  }
0x9e: {  	_ =	swait.ge [sflag:s22], s20  }
0x9f: {  	s4 =	ssub.s32 $0x0, s20;
	[sflag:s22] =	ssyncset.done $0x0  }
0xa0: {  	[sflag:s22] =	ssyncadd.s32 s4;
	_ =	sdelay $0x1  }
0xa1: {  	s23 =	simm.s32 $0x1B8B  }
0xa2: {  	_ =	swait.ge [sflag:s23], $0x1  }
0xa3: {  	[sflag:s23] =	ssyncset.done $0x0  }
0xa4: {  	s25 =	simm.s32 $0x1B8E;
	s24 =	sld [smem:$0x3FFE];
	[sflag:s23] =	ssyncadd.s32 $0xFFFFFFFF  }
0xa5: {  	s26 =	simm.s32 $execute0_lowered;
	[smem:$0x3FD2] =	sst s25  }
0xa6: {  	s5 =	sshll.u32 s26, $0x1;
	_ =	strace $0x80000046;
	[dreg:$0x1] =	wrdreg $0xFFFFFFFF  }
0xa7: {  	s28 =	simm.s32 $_size_execute0_lowered;
	s3 =	sadd.s32 s3, s5;
	[dreg:$0x0] =	wrdreg $0x0  }
0xa8: {  	s5 =	sshll.u32 s28, $0x1;
	[dreg:$0x2] =	wrdreg s3  }
0xa9: {  	[dreg:$0x3] =	wrdreg s5  }
0xaa: {  	[dreg:$0x4] =	wrdreg $0xC0  }
0xab: {  	_ =	task [dreg:s7], $0x5FFFF  }
0xac: {  	[dreg:$0x1] =	wrdreg $0xFFFFFFFF  }
0xad: {  	[dreg:$0x0] =	wrdreg $0x60  }
0xae: {  	[dreg:$0x2] =	wrdreg s24  }
0xaf: {  	[dreg:$0x3] =	wrdreg s2  }
0xb0: {  	[dreg:$0x4] =	wrdreg $0x9  }
0xb1: {  	_ =	task.clear_ibuf [dreg:s7], $0x5FFFF;
	_ =	strace $0x90000046  }
0xb2: {  	s29 =	simm.s32 $0x9;
	_ =	strace $0x80000048  }
0xb3: {  	_ =	swait.ge [sflag:s29], $0x1  }
0xb4: {  	[sflag:s29] =	ssyncadd.s32 $0xFFFFFFFF  }
0xb5: {  	_ =	strace $0x90000048  }
0xb6: {  	_ =	sfence  }
0xb7: {  	s30 =	sld [smem:$0x0];
	_ =	sdelay $0x2  }
0xb8: {  	s31 =	sshll.u32 s1, $0xD;
	s1 =	sshrl.u32 s1, $0x2  }
0xb9: {  	s3 =	sand.u32 $0x4000, s31;
	s1 =	sadd.s32 s1, s30  }
0xba: {  	s0 =	sor.u32 s3, s0;
	s1 =	sshll.u32 s1, $0x11  }
0xbb: {  	s0 =	sor.u32 s1, s0  }
0xbc: {  	s0 =	sadd.s32 $0x8F2B, s0  }
0xbd: {  	[sflag:s0] =	ssyncadd.remote.s32 $0x1  }
0xbe: {  	_ =	sfence.sel $0xFFFF  }
0xbf: {  	[dreg:$0x0] =	wrdreg $0xFFFFFFFF;
	(pc) =	sbr.abs _section_cstart, $3  }
0xc0: {  	[dreg:$0x1] =	wrdreg $0xFFFFFFFF  }
0xc1: {  	_ =	task.clear_ibuf [dreg:s7], $0x2FFFF;
	_ =	strace $0x9FFFFFFF  }
0xc2: {  	(tm) =	ssettm $0x7FFFFFFF  }
0xc3: {  	_ =	shalt  }
tec
execute0_lowered:
.L_overlay_start_1:
0x0: {  	(tag) =	ssettag $0x1  }
0x1: {  	s1 =	srdreg.scid  }
0x2: {  	s3 =	rddreg [dreg:$0x0];
	s0 =	stileid.u32  }
0x3: {  	s5 =	rddreg [dreg:$0x1];
	s2 =	simm.s32 $0x0;
	s9 =	simm.s32 $0x6800  }
0x4: {  	s10 =	simm.s32 $0x68;
	s11 =	simm.s32 $0x8100;
	s12 =	simm.s32 $0x9A00  }
0x5: {  	s13 =	simm.s32 $0xB300;
	s14 =	simm.s32 $0x1;
	s4 =	sand.u32 $0x1, s1  }
0x6: {  	s15 =	simm.s32 $0x2;
	s6 =	sshll.u32 s0, $0x8;
	s7 =	sshll.u32 s4, $0x7  }
0x7: {  	s16 =	simm.s32 $0xCC00;
	s17 =	simm.s32 $0x0;
	s6 =	sor.u32 s7, s6  }
0x8: {  	s1 =	rddreg [dreg:$0x2];
	s4 =	ssub.s32 $0x2, s4;
	s7 =	smul.u32 $0x1A, s6  }
0x9: {  	[smem:$0x7FF] =	sst s2;
	s8 =	sshrl.u32 s4, $0x1;
	s6 =	smul.u32 $0x18, s6  }
0xa: {  	_ =	strace $0x80000047;
	s8 =	ssub.s32 s4, s8;
	s7 =	sadd.s32 s7, s3  }
0xb: {  	s3 =	sadd.s32 $0x1A400, s3;
	s5 =	sadd.s32 s5, s6;
	s6 =	smax.u32 s8, $0x1  }
0xc: {  	s8 =	simm.s32 $0x64;
	s4 =	sadd.s32 $0x400, s7;
	s7 =	simm.s32 $0x3  }
.LBB2_1:
0xd: {  	[tilespmem:s2], [sflag:$0x3] =	stream.linear.gather [hbm4b:s4+s2], $0x6800, $0x38;
	[tilespmem:$0x12C00] =	vst v63  }
0xe: {  	_ =	swait.ge [sflag:s7], $0x6800  }
0xf: {  	[sflag:s7] =	ssyncset.done $0x0  }
0x10: {  	[sflag:s7] =	ssyncadd.s32 $0xFFFF9800  }
0x11: {  	[tilespmem:s9], [sflag:$0x1] =	stream.indirect.gather [hbm4b:s3+s8], $0x40, s2, s8, $0xb8;
	[tilespmem:$0x12C00] =	vst v63  }
0x12: {  	s18 =	simm.s32 $0x0  }
0x13: {  	[tilespmem:s11], [sflag:$0x1] =	stream.indirect.gather [hbm4b:s3+s8], $0x40, s10, s8, $0xb8;
	[tilespmem:$0x12C00] =	vst v63  }
.LBB2_2:
0x14: {  	s19 =	sshllo.u32 s18, $0x1  }
0x15: {  	s20 =	smul.u32 $0x340, s19;
	_ =	sdelay $0x1  }
0x16: {  	s20 =	sshra.s32 s20, $0x2  }
0x17: {  	[tilespmem:s12], [sflag:$0x2] =	stream.indirect.gather [hbm4b:s3+s8], $0x40, s20, s8, $0xb8;
	[tilespmem:$0x12C00] =	vst v63  }
0x18: {  	s20 =	sadd.s32 $0x68, s20  }
0x19: {  	[tilespmem:s13], [sflag:$0x2] =	stream.indirect.gather [hbm4b:s3+s8], $0x40, s20, s8, $0xb8;
	[tilespmem:$0x12C00] =	vst v63  }
0x1a: {  	_ =	swait.ge [sflag:s14], $0x1900  }
0x1b: {  	[sflag:s14] =	ssyncset.done $0x0  }
0x1c: {  	[sflag:s14] =	ssyncadd.s32 $0xFFFFE700  }
0x1d: {  	_ =	swait.ge [sflag:s14], $0x1900  }
0x1e: {  	[sflag:s14] =	ssyncset.done $0x0  }
0x1f: {  	s31 =	simm.s32 $0x6900;
	[sflag:s14] =	ssyncadd.s32 $0xFFFFE700  }
0x20: {  	v6 =	vld [tilespmem:s31+$0xC0]  }
0x21: {  	v8 =	vld [tilespmem:s31+$0xD0]  }
0x22: {  	v0 =	vld [tilespmem:s31+$0xE0]  }
0x23: {  	v10 =	vld [tilespmem:s31+$0xF0]  }
0x24: {  	v20 =	vld [tilespmem:s31+$0x80]  }
0x25: {  	v28 =	vld [tilespmem:s31+$0x90]  }
0x26: {  	v3 =	vld [tilespmem:s31+$0xA0]  }
0x27: {  	v1 =	vld [tilespmem:s31+$0xB0]  }
0x28: {  	v22 =	vld [tilespmem:s31+$0x40]  }
0x29: {  	v29 =	vld [tilespmem:s31+$0x50]  }
0x2a: {  	v4 =	vld [tilespmem:s31+$0x60]  }
0x2b: {  	v7 =	vld [tilespmem:s31+$0x70]  }
0x2c: {  	v23 =	vld [tilespmem:s31+$0x0]  }
0x2d: {  	v27 =	vld [tilespmem:s31+$0x10]  }
0x2e: {  	v12 =	vld [tilespmem:s31+$0x20]  }
0x2f: {  	v11 =	vld [tilespmem:s31+$0x30]  }
0x30: {  	v21 =	vld [tilespmem:s31+$0xFFFFFF00]  }
0x31: {  	v24 =	vld [tilespmem:s31+$0xFFFFFFC0]  }
0x32: {  	v26 =	vld [tilespmem:s31+$0xFFFFFF40]  }
0x33: {  	v31 =	vld [tilespmem:s31+$0xFFFFFF10];
	v18 =	vmul.f32 v6, v20  }
0x34: {  	v36 =	vld [tilespmem:s31+$0xFFFFFF50];
	v19 =	vmul.f32 v8, v28;
	v16 =	vmul.f32 v0, v3  }
0x35: {  	v37 =	vld [tilespmem:s31+$0xFFFFFFD0];
	v2 =	vmul.f32 v10, v1;
	v25 =	vmul.f32 v20, v22  }
0x36: {  	v43 =	vld [tilespmem:s31+$0xFFFFFF90];
	v30 =	vmul.f32 v28, v29;
	v9 =	vmul.f32 v3, v4  }
0x37: {  	v15 =	vimm.f32 $0.0e+00;
	v45 =	vld [tilespmem:s31+$0xFFFFFF20];
	v5 =	vmul.f32 v1, v7;
	v32 =	vmul.f32 v22, v23  }
0x38: {  	v44 =	vld [tilespmem:s31+$0xFFFFFF60];
	v34 =	vmul.f32 v29, v27;
	v35 =	vmul.f32 v21, v15  }
0x39: {  	v33 =	vld [tilespmem:s31+$0xFFFFFF80];
	v14 =	vmul.f32 v4, v12;
	v13 =	vmul.f32 v7, v11  }
0x3a: {  	v38 =	vadd.f32 v21, v15;
	v21 =	vmul.f32 v26, v21;
	v40 =	vmul.f32 v23, v24  }
0x3b: {  	v41 =	vadd.f32 v31, v15;
	v47 =	vmul.f32 v27, v37;
	v62 =	vmul.f32 v43, v36  }
0x3c: {  	v63 =	vmul.f32 v36, v31;
	v31 =	vmul.f32 v31, v15;
	v55 =	vadd.f32 v45, v15  }
0x3d: {  	v51 =	vmul.f32 v44, v45;
	v39 =	vadd.f32 v35, v15;
	v35 =	vmul.f32 v26, v35  }
0x3e: {  	v38 =	vadd.f32 v26, v38;
	v26 =	vmul.f32 v33, v26;
	v58 =	vadd.f32 v36, v41  }
0x3f: {  	v41 =	vmul.f32 v45, v15;
	v42 =	vadd.f32 v21, v39;
	v35 =	vadd.f32 v35, v39  }
0x40: {  	v17 =	vld [tilespmem:s31+$0xFFFFFFE0];
	v21 =	vmul.f32 v33, v21;
	v38 =	vadd.f32 v33, v38;
	v39 =	vadd.f32 v43, v58  }
0x41: {  	v33 =	vmul.f32 v24, v33;
	v56 =	vadd.f32 v41, v15;
	v58 =	vadd.f32 v44, v55  }
0x42: {  	v59 =	vadd.f32 v26, v42;
	v35 =	vadd.f32 v21, v35;
	v26 =	vmul.f32 v24, v26  }
0x43: {  	v61 =	vmul.f32 v22, v40;
	v24 =	vadd.f32 v24, v38;
	v39 =	vadd.f32 v37, v39  }
0x44: {  	v60 =	vadd.f32 v33, v59;
	v26 =	vadd.f32 v26, v35;
	v33 =	vmul.f32 v23, v33  }
0x45: {  	v21 =	vmul.f32 v12, v17;
	v23 =	vadd.f32 v23, v24;
	v39 =	vadd.f32 v27, v39  }
0x46: {  	v38 =	vimm.f32 $0.0e+00;
	v24 =	vadd.f32 v40, v60;
	v26 =	vadd.f32 v33, v26  }
0x47: {  	v42 =	vld [tilespmem:s31+$0xFFFFFFA0];
	v35 =	vmul.f32 v37, v43;
	v59 =	vadd.f32 v51, v56;
	v22 =	vadd.f32 v22, v23  }
0x48: {  	v23 =	vadd.f32 v32, v24;
	v24 =	vadd.f32 v61, v26;
	v26 =	vmul.f32 v20, v32  }
0x49: {  	v54 =	vadd.f32 v29, v39;
	v29 =	vmul.f32 v29, v47;
	v20 =	vadd.f32 v20, v22  }
0x4a: {  	v22 =	vadd.f32 v25, v23;
	v23 =	vadd.f32 v26, v24;
	v26 =	vmul.f32 v6, v25  }
0x4b: {  	v25 =	vadd.f32 v6, v20;
	v20 =	vadd.f32 v31, v15;
	v31 =	vmul.f32 v36, v31  }
0x4c: {  	v50 =	vmul.f32 v42, v44;
	v33 =	vadd.f32 v28, v54;
	v32 =	vadd.f32 v42, v58  }
0x4d: {  	v57 =	vadd.f32 v63, v20;
	v20 =	vadd.f32 v31, v20;
	v31 =	vmul.f32 v43, v63  }
0x4e: {  	v48 =	vld [tilespmem:s31+$0xFFFFFFB0];
	v49 =	vmul.f32 v17, v42;
	v24 =	vadd.f32 v18, v22;
	v22 =	vadd.f32 v8, v33  }
0x4f: {  	v54 =	vld [tilespmem:s31+$0xFFFFFF70];
	v33 =	vadd.f32 v50, v59;
	v20 =	vadd.f32 v31, v20;
	v31 =	vmul.f32 v37, v62  }
0x50: {  	v46 =	vld [tilespmem:s31+$0xFFFFFF30];
	v39 =	vimm.f32 $0.0e+00;
	v23 =	vadd.f32 v26, v23;
	v60 =	vadd.f32 v62, v57  }
0x51: {  	v26 =	vld [tilespmem:s31+$0xFFFFFFF0];
	v33 =	vadd.f32 v49, v33;
	v20 =	vadd.f32 v31, v20;
	v31 =	vmul.f32 v27, v35  }
0x52: {  	v28 =	vmul.f32 v28, v34;
	v32 =	vadd.f32 v17, v32;
	v36 =	vadd.f32 v35, v60  }
0x53: {  	v43 =	vmul.f32 v8, v30;
	v62 =	vadd.f32 v21, v33;
	v20 =	vadd.f32 v31, v20  }
0x54: {  	v40 =	vmul.f32 v48, v54;
	v61 =	vadd.f32 v47, v36;
	v31 =	vadd.f32 v12, v32  }
0x55: {  	v53 =	vmul.f32 v54, v46;
	v32 =	vadd.f32 v14, v62;
	v20 =	vadd.f32 v29, v20  }
0x56: {  	v37 =	vimm.f32 $0.0e+00;
	v27 =	vmul.f32 v11, v26;
	v63 =	vadd.f32 v34, v61  }
0x57: {  	v47 =	vmul.f32 v26, v48;
	v29 =	vadd.f32 v4, v31;
	v36 =	vadd.f32 v9, v32  }
0x58: {  	v34 =	vimm.f32 $0.0e+00;
	v31 =	vadd.f32 v30, v63;
	v33 =	vadd.f32 v28, v20  }
0x59: {  	s21 =	simm.s32 $0x6B00;
	s20 =	simm.s32 $0x0;
	v30 =	vmul.f32 v46, v15;
	v35 =	vadd.f32 v3, v29;
	v29 =	vimm.f32 $0.0e+00;
	v28 =	vmovc v0;
	v20 =	vmovc v10  }
.LBB2_3:
0x5a: {  	v15 =	vmul.f32 v45, v15;
	v32 =	vadd.f32 v19, v31;
	v33 =	vadd.f32 v43, v33;
	v45 =	vmovc v6;
	v6 =	vld [tilespmem:s21+$0xC0]  }
0x5b: {  	v29 =	vmul.f32 v46, v29;
	v43 =	vmovc v8;
	v35 =	vadd.f32 v0, v35;
	v36 =	vadd.f32 v16, v36;
	v8 =	vld [tilespmem:s21+$0xD0]  }
0x5c: {  	v31 =	vadd.f32 v46, v37;
	v15 =	vadd.f32 v15, v34;
	v34 =	vmul.f32 v44, v41;
	v41 =	vmovc v28;
	v28 =	vld [tilespmem:s21+$0xE0]  }
0x5d: {  	v37 =	vadd.f32 v30, v38;
	v38 =	vmul.f32 v54, v30;
	v30 =	vmovc v10;
	v29 =	vadd.f32 v29, v39;
	v10 =	vld [tilespmem:s21+$0xF0]  }
0x5e: {  	v39 =	vmul.f32 v42, v51;
	v51 =	vmovc v18;
	v46 =	vld [tilespmem:s21+$0x80];
	v44 =	vadd.f32 v34, v15;
	v34 =	vadd.f32 v54, v31  }
0x5f: {  	v42 =	vmovc v19;
	v18 =	vadd.f32 v53, v37;
	v37 =	vmul.f32 v48, v53;
	v52 =	vadd.f32 v38, v29;
	v31 =	vld [tilespmem:s21+$0x90]  }
0x60: {  	v17 =	vmul.f32 v17, v50;
	v19 =	vld [tilespmem:s21+$0xA0];
	v38 =	vadd.f32 v39, v44;
	v34 =	vadd.f32 v48, v34;
	v15 =	vmovc v16  }
0x61: {  	v18 =	vadd.f32 v40, v18;
	v37 =	vadd.f32 v37, v52;
	v39 =	vmul.f32 v26, v40;
	v29 =	vmovc v2;
	v16 =	vld [tilespmem:s21+$0xB0]  }
0x62: {  	v12 =	vmul.f32 v12, v49;
	v44 =	vld [tilespmem:s21+$0x40];
	v17 =	vadd.f32 v17, v38;
	v26 =	vadd.f32 v26, v34  }
0x63: {  	v18 =	vadd.f32 v47, v18;
	v34 =	vadd.f32 v39, v37;
	v37 =	vmul.f32 v11, v47;
	v40 =	vld [tilespmem:s21+$0x50]  }
0x64: {  	v12 =	vadd.f32 v12, v17;
	v11 =	vadd.f32 v11, v26;
	v17 =	vmul.f32 v4, v21;
	v4 =	vld [tilespmem:s21+$0x60]  }
0x65: {  	v18 =	vadd.f32 v27, v18;
	v27 =	vmul.f32 v7, v27;
	v26 =	vadd.f32 v37, v34;
	v21 =	vld [tilespmem:s21+$0x70]  }
0x66: {  	v48 =	vld [tilespmem:s21+$0x0];
	v17 =	vadd.f32 v17, v12;
	v7 =	vadd.f32 v7, v11;
	v11 =	vmul.f32 v3, v14;
	v3 =	vmovc v19  }
0x67: {  	v14 =	vadd.f32 v13, v18;
	v18 =	vadd.f32 v27, v26;
	v13 =	vmul.f32 v1, v13;
	v47 =	vld [tilespmem:s21+$0x10]  }
0x68: {  	v9 =	vmul.f32 v0, v9;
	v0 =	vmovc v28;
	v12 =	vld [tilespmem:s21+$0x20];
	v17 =	vadd.f32 v11, v17;
	v26 =	vadd.f32 v1, v7  }
0x69: {  	v14 =	vadd.f32 v5, v14;
	v13 =	vadd.f32 v13, v18;
	v5 =	vmul.f32 v20, v5;
	v1 =	vmovc v16;
	v11 =	vld [tilespmem:s21+$0x30]  }
0x6a: {  	v18 =	vmul.f32 v6, v46;
	v49 =	vld [tilespmem:s21+$0xFFFFFFC0];
	v34 =	vadd.f32 v9, v17;
	v37 =	vadd.f32 v20, v26;
	v20 =	vmovc v10  }
0x6b: {  	v19 =	vmul.f32 v8, v31;
	v38 =	vadd.f32 v2, v14;
	v39 =	vadd.f32 v5, v13;
	v7 =	vmovc v21;
	v55 =	vld [tilespmem:s21+$0xFFFFFFD0]  }
0x6c: {  	v16 =	vmul.f32 v0, v3;
	v2 =	vmul.f32 v20, v1;
	v17 =	vld [tilespmem:s21+$0xFFFFFFE0]  }
0x6d: {  	v54 =	vmul.f32 v46, v44;
	v52 =	vmul.f32 v31, v40;
	v50 =	vld [tilespmem:s21+$0xFFFFFF00]  }
0x6e: {  	v9 =	vmul.f32 v3, v4;
	v5 =	vmul.f32 v1, v7;
	v26 =	vld [tilespmem:s21+$0xFFFFFFF0]  }
0x6f: {  	v57 =	vmul.f32 v44, v48;
	v53 =	vmul.f32 v40, v47;
	v56 =	vld [tilespmem:s21+$0xFFFFFF40]  }
0x70: {  	v14 =	vmul.f32 v4, v12;
	v13 =	vmul.f32 v7, v11;
	v58 =	vld [tilespmem:s21+$0xFFFFFF10]  }
0x71: {  	v60 =	vmul.f32 v48, v49;
	v61 =	vmul.f32 v47, v55;
	v59 =	vld [tilespmem:s21+$0xFFFFFF80]  }
0x72: {  	v21 =	vmul.f32 v12, v17;
	v45 =	vmul.f32 v50, v45;
	v62 =	vld [tilespmem:s21+$0xFFFFFF50]  }
0x73: {  	v51 =	vmul.f32 v50, v51;
	v27 =	vmul.f32 v11, v26  }
0x74: {  	v25 =	vadd.f32 v50, v25;
	v24 =	vadd.f32 v45, v24;
	v50 =	vmul.f32 v56, v50;
	v63 =	vld [tilespmem:s21+$0xFFFFFF90]  }
0x75: {  	v23 =	vadd.f32 v51, v23;
	v45 =	vmul.f32 v56, v45;
	v22 =	vadd.f32 v58, v22  }
0x76: {  	v25 =	vadd.f32 v56, v25;
	v24 =	vadd.f32 v50, v24;
	v51 =	vmul.f32 v59, v56  }
0x77: {  	v23 =	vadd.f32 v45, v23;
	v45 =	vmul.f32 v59, v50;
	v22 =	vadd.f32 v62, v22  }
0x78: {  	v25 =	vadd.f32 v59, v25;
	v50 =	vmul.f32 v49, v59;
	v24 =	vadd.f32 v51, v24  }
0x79: {  	v23 =	vadd.f32 v45, v23;
	v45 =	vmul.f32 v49, v51;
	v22 =	vadd.f32 v63, v22  }
0x7a: {  	v25 =	vadd.f32 v49, v25;
	v56 =	vmul.f32 v55, v63;
	v24 =	vadd.f32 v50, v24  }
0x7b: {  	v23 =	vadd.f32 v45, v23;
	v45 =	vmul.f32 v48, v50;
	v22 =	vadd.f32 v55, v22  }
0x7c: {  	v49 =	vmul.f32 v63, v62;
	v25 =	vadd.f32 v48, v25;
	v24 =	vadd.f32 v60, v24  }
0x7d: {  	v48 =	vmul.f32 v44, v60;
	v23 =	vadd.f32 v45, v23;
	v22 =	vadd.f32 v47, v22  }
0x7e: {  	v50 =	vmul.f32 v62, v58;
	v25 =	vadd.f32 v44, v25;
	v45 =	vld [tilespmem:s21+$0xFFFFFF20];
	v24 =	vadd.f32 v57, v24  }
0x7f: {  	v23 =	vadd.f32 v48, v23;
	v48 =	vmul.f32 v46, v57;
	v22 =	vadd.f32 v40, v22  }
0x80: {  	v43 =	vmul.f32 v58, v43;
	v25 =	vadd.f32 v46, v25;
	v44 =	vld [tilespmem:s21+$0xFFFFFF60];
	v24 =	vadd.f32 v54, v24  }
0x81: {  	v46 =	vmul.f32 v6, v54;
	v23 =	vadd.f32 v48, v23;
	v22 =	vadd.f32 v31, v22  }
0x82: {  	v48 =	vmul.f32 v58, v42;
	v25 =	vadd.f32 v6, v25;
	v42 =	vld [tilespmem:s21+$0xFFFFFFA0];
	v24 =	vadd.f32 v18, v24  }
0x83: {  	v23 =	vadd.f32 v46, v23;
	v41 =	vmul.f32 v45, v41;
	v22 =	vadd.f32 v8, v22  }
0x84: {  	v32 =	vadd.f32 v43, v32;
	v43 =	vmul.f32 v62, v43;
	v33 =	vadd.f32 v48, v33  }
0x85: {  	v35 =	vadd.f32 v45, v35;
	v36 =	vadd.f32 v41, v36;
	v51 =	vmul.f32 v44, v45  }
0x86: {  	v32 =	vadd.f32 v50, v32;
	v33 =	vadd.f32 v43, v33;
	v43 =	vmul.f32 v63, v50;
	v48 =	vld [tilespmem:s21+$0xFFFFFFB0]  }
0x87: {  	v35 =	vadd.f32 v44, v35;
	v36 =	vadd.f32 v51, v36;
	v50 =	vmul.f32 v42, v44  }
0x88: {  	v32 =	vadd.f32 v49, v32;
	v33 =	vadd.f32 v43, v33;
	v43 =	vmul.f32 v55, v49;
	v54 =	vld [tilespmem:s21+$0xFFFFFF70]  }
0x89: {  	v35 =	vadd.f32 v42, v35;
	v49 =	vmul.f32 v17, v42;
	v36 =	vadd.f32 v50, v36  }
0x8a: {  	v32 =	vadd.f32 v56, v32;
	v33 =	vadd.f32 v43, v33;
	v43 =	vmul.f32 v47, v56;
	v46 =	vld [tilespmem:s21+$0xFFFFFF30]  }
0x8b: {  	s20 =	sadd.s32 $0x8, s20;
	v35 =	vadd.f32 v17, v35;
	v36 =	vadd.f32 v49, v36;
	v47 =	vmul.f32 v26, v48  }
0x8c: {  	p0 =	slt.u32 s20, $0xC0;
	v32 =	vadd.f32 v61, v32;
	v33 =	vadd.f32 v43, v33;
	v43 =	vmul.f32 v40, v61  }
.Ltmp0:
0x8d: {  	v35 =	vadd.f32 v12, v35;
	v40 =	vmul.f32 v48, v54;
	v36 =	vadd.f32 v21, v36;
	(pc) =	sbr.rel @p0 .LBB2_3-.Ltmp0, $4  }
0x8e: {  	v32 =	vadd.f32 v53, v32;
	v33 =	vadd.f32 v43, v33;
	v43 =	vmul.f32 v31, v53  }
0x8f: {  	v35 =	vadd.f32 v4, v35;
	v53 =	vmul.f32 v54, v46;
	v36 =	vadd.f32 v14, v36  }
0x90: {  	v31 =	vadd.f32 v52, v32;
	v33 =	vadd.f32 v43, v33;
	v43 =	vmul.f32 v8, v52  }
0x91: {  	s21 =	sadd.s32 $0x200, s21;
	v30 =	vmul.f32 v46, v30;
	v35 =	vadd.f32 v3, v35;
	v36 =	vadd.f32 v9, v36  }
0x92: {  	v6 =	vmul.f32 v45, v15  }
0x93: {  	v8 =	vadd.f32 v19, v31;
	v10 =	vadd.f32 v43, v33;
	v15 =	vmul.f32 v46, v29  }
0x94: {  	v19 =	vadd.f32 v46, v37;
	v28 =	vmul.f32 v44, v41;
	v6 =	vadd.f32 v6, v34  }
0x95: {  	v18 =	vadd.f32 v0, v35;
	v29 =	vadd.f32 v30, v38;
	v30 =	vmul.f32 v54, v30  }
0x96: {  	v15 =	vadd.f32 v15, v39;
	v6 =	vadd.f32 v28, v6;
	v28 =	vmul.f32 v42, v51  }
0x97: {  	v17 =	vmul.f32 v17, v50;
	v19 =	vadd.f32 v54, v19;
	v29 =	vadd.f32 v53, v29  }
0x98: {  	v15 =	vadd.f32 v30, v15;
	v30 =	vmul.f32 v48, v53;
	v6 =	vadd.f32 v28, v6  }
0x99: {  	v12 =	vmul.f32 v12, v49;
	v19 =	vadd.f32 v48, v19;
	v28 =	vadd.f32 v40, v29  }
0x9a: {  	v15 =	vadd.f32 v30, v15;
	v29 =	vmul.f32 v26, v40;
	v6 =	vadd.f32 v17, v6  }
0x9b: {  	v4 =	vmul.f32 v4, v21;
	v17 =	vadd.f32 v26, v19;
	v19 =	vadd.f32 v47, v28  }
0x9c: {  	v15 =	vadd.f32 v29, v15;
	v26 =	vmul.f32 v11, v47;
	v6 =	vadd.f32 v12, v6  }
0x9d: {  	s20 =	smul.u32 $0x600, s18;
	v3 =	vmul.f32 v3, v14;
	v11 =	vadd.f32 v11, v17;
	v12 =	vadd.f32 v27, v19  }
0x9e: {  	v15 =	vadd.f32 v26, v15;
	v17 =	vmul.f32 v7, v27;
	v19 =	vmul.f32 $4.999999890e-03, v25  }
0x9f: {  	s20 =	sshra.s32 s20, $0x2;
	v4 =	vadd.f32 v4, v6;
	v6 =	vadd.f32 v7, v11;
	v7 =	vmul.f32 $5.025125570e-03, v24  }
0xa0: {  	v16 =	vadd.f32 v16, v36;
	v11 =	vadd.f32 v13, v12;
	[tilespmem:s20+$0xCC00] =	vst v19;
	v12 =	vmul.f32 $5.050505050e-03, v23  }
0xa1: {  	v0 =	vmul.f32 v0, v9;
	v14 =	vadd.f32 v17, v15;
	[tilespmem:s20+$0xCC40] =	vst v7;
	v7 =	vmul.f32 $4.999999890e-03, v22  }
0xa2: {  	v13 =	vmul.f32 v1, v13;
	v3 =	vadd.f32 v3, v4;
	[tilespmem:s20+$0xCC80] =	vst v12;
	v4 =	vmul.f32 $5.025125570e-03, v8  }
0xa3: {  	v1 =	vadd.f32 v1, v6;
	v6 =	vadd.f32 v5, v11;
	[tilespmem:s20+$0xCC10] =	vst v7;
	v7 =	vmul.f32 $5.050505050e-03, v10  }
0xa4: {  	v8 =	vadd.f32 v13, v14;
	v0 =	vadd.f32 v0, v3;
	[tilespmem:s20+$0xCC50] =	vst v4;
	v3 =	vmul.f32 $4.999999890e-03, v18  }
0xa5: {  	v4 =	vmul.f32 v20, v5;
	v1 =	vadd.f32 v20, v1;
	v5 =	vmul.f32 $5.025125570e-03, v16;
	[tilespmem:s20+$0xCC90] =	vst v7  }
0xa6: {  	v2 =	vadd.f32 v2, v6;
	[tilespmem:s20+$0xCC20] =	vst v3;
	v0 =	vmul.f32 $5.050505050e-03, v0  }
0xa7: {  	p0 =	seq.s32 s18, $0x3F;
	v3 =	vadd.f32 v4, v8;
	[tilespmem:s20+$0xCC60] =	vst v5;
	v1 =	vmul.f32 $4.999999890e-03, v1  }
0xa8: {  	s21 =	smul.u32 @!p0 $0x680, s18;
	[tilespmem:s20+$0xCCA0] =	vst v0;
	v0 =	vmul.f32 $5.025125570e-03, v2  }
0xa9: {  	[tilespmem:s20+$0xCC30] =	vst v1;
	v1 =	vmul.f32 $5.050505050e-03, v3  }
0xaa: {  	s21 =	sshra.s32 @!p0 s21, $0x2;
	[tilespmem:s20+$0xCC70] =	vst v0  }
0xab: {  	s22 =	simm.s32 @!p0 $0x64;
	s23 =	simm.s32 @!p0 $0x6800;
	[tilespmem:s20+$0xCCB0] =	vst v1;
	s20 =	sadd.s32 @!p0 $0x1A0, s21  }
0xac: {  	[tilespmem:s23], [sflag:$0x1] =	stream.indirect.gather @!p0 [hbm4b:s3+s22], $0x40, s20, s22, $0xb8;
	[tilespmem:$0x12C00] =	vst v63  }
0xad: {  	s20 =	sadd.s32 @!p0 $0x208, s21;
	s21 =	simm.s32 @!p0 $0x8100  }
0xae: {  	[tilespmem:s21], [sflag:$0x1] =	stream.indirect.gather @!p0 [hbm4b:s3+s22], $0x40, s20, s22, $0xb8;
	[tilespmem:$0x12C00] =	vst v63  }
0xaf: {  	_ =	swait.ge [sflag:s15], $0x1900  }
0xb0: {  	[sflag:s15] =	ssyncset.done $0x0  }
0xb1: {  	[sflag:s15] =	ssyncadd.s32 $0xFFFFE700  }
0xb2: {  	_ =	swait.ge [sflag:s15], $0x1900  }
0xb3: {  	[sflag:s15] =	ssyncset.done $0x0  }
0xb4: {  	s31 =	simm.s32 $0x9BF0;
	[sflag:s15] =	ssyncadd.s32 $0xFFFFE700  }
0xb5: {  	v6 =	vld [tilespmem:s31+$0xFFFFFFD0]  }
0xb6: {  	v8 =	vld [tilespmem:s31+$0xFFFFFFE0]  }
0xb7: {  	v0 =	vld [tilespmem:s31+$0xFFFFFFF0]  }
0xb8: {  	v10 =	vld [tilespmem:s31+$0x0]  }
0xb9: {  	v20 =	vld [tilespmem:s31+$0xFFFFFF90]  }
0xba: {  	v28 =	vld [tilespmem:s31+$0xFFFFFFA0]  }
0xbb: {  	v3 =	vld [tilespmem:s31+$0xFFFFFFB0]  }
0xbc: {  	v1 =	vld [tilespmem:s31+$0xFFFFFFC0]  }
0xbd: {  	v22 =	vld [tilespmem:s31+$0xFFFFFF50]  }
0xbe: {  	v29 =	vld [tilespmem:s31+$0xFFFFFF60]  }
0xbf: {  	v4 =	vld [tilespmem:s31+$0xFFFFFF70]  }
0xc0: {  	v7 =	vld [tilespmem:s31+$0xFFFFFF80]  }
0xc1: {  	v23 =	vld [tilespmem:s31+$0xFFFFFF10]  }
0xc2: {  	v27 =	vld [tilespmem:s31+$0xFFFFFF20]  }
0xc3: {  	v12 =	vld [tilespmem:s31+$0xFFFFFF30]  }
0xc4: {  	v11 =	vld [tilespmem:s31+$0xFFFFFF40]  }
0xc5: {  	v21 =	vld [tilespmem:s31+$0xFFFFFE10]  }
0xc6: {  	v24 =	vld [tilespmem:s31+$0xFFFFFED0]  }
0xc7: {  	v26 =	vld [tilespmem:s31+$0xFFFFFE50]  }
0xc8: {  	v31 =	vld [tilespmem:s31+$0xFFFFFE20]  }
0xc9: {  	v50 =	vld [tilespmem:s31+$0xFFFFFE90];
	v18 =	vmul.f32 v6, v20;
	v19 =	vmul.f32 v8, v28  }
0xca: {  	v52 =	vld [tilespmem:s31+$0xFFFFFE60];
	v16 =	vmul.f32 v0, v3;
	v2 =	vmul.f32 v10, v1  }
0xcb: {  	v37 =	vld [tilespmem:s31+$0xFFFFFEE0];
	v25 =	vmul.f32 v20, v22;
	v30 =	vmul.f32 v28, v29  }
0xcc: {  	v43 =	vld [tilespmem:s31+$0xFFFFFEA0];
	v9 =	vmul.f32 v3, v4;
	v5 =	vmul.f32 v1, v7  }
0xcd: {  	v15 =	vimm.f32 $0.0e+00;
	v45 =	vld [tilespmem:s31+$0xFFFFFE30];
	v32 =	vmul.f32 v22, v23;
	v34 =	vmul.f32 v29, v27  }
0xce: {  	v51 =	vmul.f32 v21, v15;
	v14 =	vmul.f32 v4, v12  }
0xcf: {  	v13 =	vmul.f32 v7, v11;
	v53 =	vadd.f32 v21, v15;
	v21 =	vmul.f32 v26, v21  }
0xd0: {  	v55 =	vmul.f32 v23, v24;
	v47 =	vmul.f32 v27, v37  }
0xd1: {  	v33 =	vmul.f32 v24, v50;
	v62 =	vmul.f32 v43, v52  }
0xd2: {  	v17 =	vld [tilespmem:s31+$0xFFFFFEF0];
	v56 =	vadd.f32 v31, v15;
	v63 =	vmul.f32 v52, v31;
	v41 =	vmul.f32 v45, v15  }
0xd3: {  	v42 =	vld [tilespmem:s31+$0xFFFFFEB0];
	v54 =	vadd.f32 v51, v15;
	v35 =	vmul.f32 v26, v51;
	v38 =	vadd.f32 v26, v53  }
0xd4: {  	v44 =	vld [tilespmem:s31+$0xFFFFFE70];
	v26 =	vmul.f32 v50, v26;
	v58 =	vadd.f32 v52, v56;
	v56 =	vadd.f32 v41, v15  }
0xd5: {  	v57 =	vadd.f32 v21, v54;
	v35 =	vadd.f32 v35, v54;
	v21 =	vmul.f32 v50, v21  }
0xd6: {  	v31 =	vmul.f32 v31, v15;
	v38 =	vadd.f32 v50, v38;
	v39 =	vadd.f32 v43, v58  }
0xd7: {  	v59 =	vadd.f32 v26, v57;
	v35 =	vadd.f32 v21, v35;
	v26 =	vmul.f32 v24, v26  }
0xd8: {  	v49 =	vmul.f32 v17, v42;
	v24 =	vadd.f32 v24, v38;
	v39 =	vadd.f32 v37, v39  }
0xd9: {  	v51 =	vmul.f32 v44, v45;
	v60 =	vadd.f32 v33, v59;
	v26 =	vadd.f32 v26, v35  }
0xda: {  	v33 =	vmul.f32 v23, v33;
	v23 =	vadd.f32 v23, v24;
	v39 =	vadd.f32 v27, v39  }
0xdb: {  	v61 =	vmul.f32 v22, v55;
	v59 =	vadd.f32 v51, v56;
	v24 =	vadd.f32 v55, v60  }
0xdc: {  	v50 =	vmul.f32 v42, v44;
	v26 =	vadd.f32 v33, v26;
	v22 =	vadd.f32 v22, v23  }
0xdd: {  	v21 =	vmul.f32 v12, v17;
	v54 =	vadd.f32 v29, v39;
	v55 =	vadd.f32 v45, v15  }
0xde: {  	v23 =	vadd.f32 v32, v24;
	v24 =	vadd.f32 v61, v26;
	v26 =	vmul.f32 v20, v32  }
0xdf: {  	v38 =	vimm.f32 $0.0e+00;
	v20 =	vadd.f32 v20, v22;
	v58 =	vadd.f32 v44, v55  }
0xe0: {  	v22 =	vadd.f32 v25, v23;
	v23 =	vadd.f32 v26, v24;
	v26 =	vmul.f32 v6, v25  }
0xe1: {  	v25 =	vadd.f32 v6, v20;
	v20 =	vadd.f32 v31, v15;
	v31 =	vmul.f32 v52, v31  }
0xe2: {  	v35 =	vmul.f32 v37, v43;
	v33 =	vadd.f32 v28, v54;
	v32 =	vadd.f32 v42, v58  }
0xe3: {  	v57 =	vadd.f32 v63, v20;
	v20 =	vadd.f32 v31, v20;
	v31 =	vmul.f32 v43, v63  }
0xe4: {  	v48 =	vld [tilespmem:s31+$0xFFFFFEC0];
	v29 =	vmul.f32 v29, v47;
	v24 =	vadd.f32 v18, v22;
	v22 =	vadd.f32 v8, v33  }
0xe5: {  	v54 =	vld [tilespmem:s31+$0xFFFFFE80];
	v33 =	vadd.f32 v50, v59;
	v20 =	vadd.f32 v31, v20;
	v31 =	vmul.f32 v37, v62  }
0xe6: {  	v46 =	vld [tilespmem:s31+$0xFFFFFE40];
	v39 =	vimm.f32 $0.0e+00;
	v23 =	vadd.f32 v26, v23;
	v60 =	vadd.f32 v62, v57  }
0xe7: {  	v26 =	vld [tilespmem:s31+$0xFFFFFF00];
	v33 =	vadd.f32 v49, v33;
	v20 =	vadd.f32 v31, v20;
	v31 =	vmul.f32 v27, v35  }
0xe8: {  	v28 =	vmul.f32 v28, v34;
	v32 =	vadd.f32 v17, v32;
	v36 =	vadd.f32 v35, v60  }
0xe9: {  	v43 =	vmul.f32 v8, v30;
	v62 =	vadd.f32 v21, v33;
	v20 =	vadd.f32 v31, v20  }
0xea: {  	v40 =	vmul.f32 v48, v54;
	v61 =	vadd.f32 v47, v36;
	v31 =	vadd.f32 v12, v32  }
0xeb: {  	v53 =	vmul.f32 v54, v46;
	v32 =	vadd.f32 v14, v62;
	v20 =	vadd.f32 v29, v20  }
0xec: {  	v37 =	vimm.f32 $0.0e+00;
	v27 =	vmul.f32 v11, v26;
	v63 =	vadd.f32 v34, v61  }
0xed: {  	v47 =	vmul.f32 v26, v48;
	v29 =	vadd.f32 v4, v31;
	v36 =	vadd.f32 v9, v32  }
0xee: {  	v34 =	vimm.f32 $0.0e+00;
	v31 =	vadd.f32 v30, v63;
	v33 =	vadd.f32 v28, v20  }
0xef: {  	s20 =	simm.s32 $0x0;
	s21 =	simm.s32 $0x9DF0;
	v30 =	vmul.f32 v46, v15;
	v35 =	vadd.f32 v3, v29;
	v29 =	vimm.f32 $0.0e+00;
	v28 =	vmovc v0;
	v20 =	vmovc v10  }
.LBB2_5:
0xf0: {  	v15 =	vmul.f32 v45, v15;
	v32 =	vadd.f32 v19, v31;
	v33 =	vadd.f32 v43, v33;
	v45 =	vmovc v6;
	v6 =	vld [tilespmem:s21+$0xFFFFFFD0]  }
0xf1: {  	v29 =	vmul.f32 v46, v29;
	v43 =	vmovc v8;
	v35 =	vadd.f32 v0, v35;
	v36 =	vadd.f32 v16, v36;
	v8 =	vld [tilespmem:s21+$0xFFFFFFE0]  }
0xf2: {  	v31 =	vadd.f32 v46, v37;
	v15 =	vadd.f32 v15, v34;
	v34 =	vmul.f32 v44, v41;
	v41 =	vmovc v28;
	v28 =	vld [tilespmem:s21+$0xFFFFFFF0]  }
0xf3: {  	v37 =	vadd.f32 v30, v38;
	v38 =	vmul.f32 v54, v30;
	v30 =	vmovc v10;
	v29 =	vadd.f32 v29, v39;
	v10 =	vld [tilespmem:s21+$0x0]  }
0xf4: {  	v39 =	vmul.f32 v42, v51;
	v51 =	vmovc v18;
	v46 =	vld [tilespmem:s21+$0xFFFFFF90];
	v44 =	vadd.f32 v34, v15;
	v34 =	vadd.f32 v54, v31  }
0xf5: {  	v42 =	vmovc v19;
	v18 =	vadd.f32 v53, v37;
	v37 =	vmul.f32 v48, v53;
	v52 =	vadd.f32 v38, v29;
	v31 =	vld [tilespmem:s21+$0xFFFFFFA0]  }
0xf6: {  	v17 =	vmul.f32 v17, v50;
	v19 =	vld [tilespmem:s21+$0xFFFFFFB0];
	v38 =	vadd.f32 v39, v44;
	v34 =	vadd.f32 v48, v34;
	v15 =	vmovc v16  }
0xf7: {  	v18 =	vadd.f32 v40, v18;
	v37 =	vadd.f32 v37, v52;
	v39 =	vmul.f32 v26, v40;
	v29 =	vmovc v2;
	v16 =	vld [tilespmem:s21+$0xFFFFFFC0]  }
0xf8: {  	v12 =	vmul.f32 v12, v49;
	v44 =	vld [tilespmem:s21+$0xFFFFFF50];
	v17 =	vadd.f32 v17, v38;
	v26 =	vadd.f32 v26, v34  }
0xf9: {  	v18 =	vadd.f32 v47, v18;
	v34 =	vadd.f32 v39, v37;
	v37 =	vmul.f32 v11, v47;
	v40 =	vld [tilespmem:s21+$0xFFFFFF60]  }
0xfa: {  	v12 =	vadd.f32 v12, v17;
	v11 =	vadd.f32 v11, v26;
	v17 =	vmul.f32 v4, v21;
	v4 =	vld [tilespmem:s21+$0xFFFFFF70]  }
0xfb: {  	v18 =	vadd.f32 v27, v18;
	v27 =	vmul.f32 v7, v27;
	v26 =	vadd.f32 v37, v34;
	v21 =	vld [tilespmem:s21+$0xFFFFFF80]  }
0xfc: {  	v48 =	vld [tilespmem:s21+$0xFFFFFF10];
	v17 =	vadd.f32 v17, v12;
	v7 =	vadd.f32 v7, v11;
	v11 =	vmul.f32 v3, v14;
	v3 =	vmovc v19  }
0xfd: {  	v14 =	vadd.f32 v13, v18;
	v18 =	vadd.f32 v27, v26;
	v13 =	vmul.f32 v1, v13;
	v47 =	vld [tilespmem:s21+$0xFFFFFF20]  }
0xfe: {  	v9 =	vmul.f32 v0, v9;
	v0 =	vmovc v28;
	v12 =	vld [tilespmem:s21+$0xFFFFFF30];
	v17 =	vadd.f32 v11, v17;
	v26 =	vadd.f32 v1, v7  }
0xff: {  	v14 =	vadd.f32 v5, v14;
	v13 =	vadd.f32 v13, v18;
	v5 =	vmul.f32 v20, v5;
	v1 =	vmovc v16;
	v11 =	vld [tilespmem:s21+$0xFFFFFF40]  }
0x100: {  	v18 =	vmul.f32 v6, v46;
	v49 =	vld [tilespmem:s21+$0xFFFFFED0];
	v34 =	vadd.f32 v9, v17;
	v37 =	vadd.f32 v20, v26;
	v20 =	vmovc v10  }
0x101: {  	v19 =	vmul.f32 v8, v31;
	v38 =	vadd.f32 v2, v14;
	v39 =	vadd.f32 v5, v13;
	v7 =	vmovc v21;
	v55 =	vld [tilespmem:s21+$0xFFFFFEE0]  }
0x102: {  	v16 =	vmul.f32 v0, v3;
	v2 =	vmul.f32 v20, v1;
	v17 =	vld [tilespmem:s21+$0xFFFFFEF0]  }
0x103: {  	v54 =	vmul.f32 v46, v44;
	v52 =	vmul.f32 v31, v40;
	v50 =	vld [tilespmem:s21+$0xFFFFFE10]  }
0x104: {  	v9 =	vmul.f32 v3, v4;
	v5 =	vmul.f32 v1, v7;
	v26 =	vld [tilespmem:s21+$0xFFFFFF00]  }
0x105: {  	v57 =	vmul.f32 v44, v48;
	v53 =	vmul.f32 v40, v47;
	v56 =	vld [tilespmem:s21+$0xFFFFFE50]  }
0x106: {  	v14 =	vmul.f32 v4, v12;
	v13 =	vmul.f32 v7, v11;
	v58 =	vld [tilespmem:s21+$0xFFFFFE20]  }
0x107: {  	v60 =	vmul.f32 v48, v49;
	v61 =	vmul.f32 v47, v55;
	v59 =	vld [tilespmem:s21+$0xFFFFFE90]  }
0x108: {  	v21 =	vmul.f32 v12, v17;
	v45 =	vmul.f32 v50, v45;
	v62 =	vld [tilespmem:s21+$0xFFFFFE60]  }
0x109: {  	v51 =	vmul.f32 v50, v51;
	v27 =	vmul.f32 v11, v26  }
0x10a: {  	v25 =	vadd.f32 v50, v25;
	v24 =	vadd.f32 v45, v24;
	v50 =	vmul.f32 v56, v50;
	v63 =	vld [tilespmem:s21+$0xFFFFFEA0]  }
0x10b: {  	v23 =	vadd.f32 v51, v23;
	v45 =	vmul.f32 v56, v45;
	v22 =	vadd.f32 v58, v22  }
0x10c: {  	v25 =	vadd.f32 v56, v25;
	v24 =	vadd.f32 v50, v24;
	v51 =	vmul.f32 v59, v56  }
0x10d: {  	v23 =	vadd.f32 v45, v23;
	v45 =	vmul.f32 v59, v50;
	v22 =	vadd.f32 v62, v22  }
0x10e: {  	v25 =	vadd.f32 v59, v25;
	v50 =	vmul.f32 v49, v59;
	v24 =	vadd.f32 v51, v24  }
0x10f: {  	v23 =	vadd.f32 v45, v23;
	v45 =	vmul.f32 v49, v51;
	v22 =	vadd.f32 v63, v22  }
0x110: {  	v25 =	vadd.f32 v49, v25;
	v56 =	vmul.f32 v55, v63;
	v24 =	vadd.f32 v50, v24  }
0x111: {  	v23 =	vadd.f32 v45, v23;
	v45 =	vmul.f32 v48, v50;
	v22 =	vadd.f32 v55, v22  }
0x112: {  	v49 =	vmul.f32 v63, v62;
	v25 =	vadd.f32 v48, v25;
	v24 =	vadd.f32 v60, v24  }
0x113: {  	v48 =	vmul.f32 v44, v60;
	v23 =	vadd.f32 v45, v23;
	v22 =	vadd.f32 v47, v22  }
0x114: {  	v50 =	vmul.f32 v62, v58;
	v25 =	vadd.f32 v44, v25;
	v45 =	vld [tilespmem:s21+$0xFFFFFE30];
	v24 =	vadd.f32 v57, v24  }
0x115: {  	v23 =	vadd.f32 v48, v23;
	v48 =	vmul.f32 v46, v57;
	v22 =	vadd.f32 v40, v22  }
0x116: {  	v43 =	vmul.f32 v58, v43;
	v25 =	vadd.f32 v46, v25;
	v44 =	vld [tilespmem:s21+$0xFFFFFE70];
	v24 =	vadd.f32 v54, v24  }
0x117: {  	v46 =	vmul.f32 v6, v54;
	v23 =	vadd.f32 v48, v23;
	v22 =	vadd.f32 v31, v22  }
0x118: {  	v48 =	vmul.f32 v58, v42;
	v25 =	vadd.f32 v6, v25;
	v42 =	vld [tilespmem:s21+$0xFFFFFEB0];
	v24 =	vadd.f32 v18, v24  }
0x119: {  	v23 =	vadd.f32 v46, v23;
	v41 =	vmul.f32 v45, v41;
	v22 =	vadd.f32 v8, v22  }
0x11a: {  	v32 =	vadd.f32 v43, v32;
	v43 =	vmul.f32 v62, v43;
	v33 =	vadd.f32 v48, v33  }
0x11b: {  	v35 =	vadd.f32 v45, v35;
	v36 =	vadd.f32 v41, v36;
	v51 =	vmul.f32 v44, v45  }
0x11c: {  	v32 =	vadd.f32 v50, v32;
	v33 =	vadd.f32 v43, v33;
	v43 =	vmul.f32 v63, v50;
	v48 =	vld [tilespmem:s21+$0xFFFFFEC0]  }
0x11d: {  	v35 =	vadd.f32 v44, v35;
	v36 =	vadd.f32 v51, v36;
	v50 =	vmul.f32 v42, v44  }
0x11e: {  	v32 =	vadd.f32 v49, v32;
	v33 =	vadd.f32 v43, v33;
	v43 =	vmul.f32 v55, v49;
	v54 =	vld [tilespmem:s21+$0xFFFFFE80]  }
0x11f: {  	v35 =	vadd.f32 v42, v35;
	v49 =	vmul.f32 v17, v42;
	v36 =	vadd.f32 v50, v36  }
0x120: {  	v32 =	vadd.f32 v56, v32;
	v33 =	vadd.f32 v43, v33;
	v43 =	vmul.f32 v47, v56;
	v46 =	vld [tilespmem:s21+$0xFFFFFE40]  }
0x121: {  	s20 =	sadd.s32 $0x8, s20;
	v35 =	vadd.f32 v17, v35;
	v36 =	vadd.f32 v49, v36;
	v47 =	vmul.f32 v26, v48  }
0x122: {  	p0 =	slt.u32 s20, $0xC0;
	v32 =	vadd.f32 v61, v32;
	v33 =	vadd.f32 v43, v33;
	v43 =	vmul.f32 v40, v61  }
.Ltmp1:
0x123: {  	v35 =	vadd.f32 v12, v35;
	v40 =	vmul.f32 v48, v54;
	v36 =	vadd.f32 v21, v36;
	(pc) =	sbr.rel @p0 .LBB2_5-.Ltmp1, $4  }
0x124: {  	v32 =	vadd.f32 v53, v32;
	v33 =	vadd.f32 v43, v33;
	v43 =	vmul.f32 v31, v53  }
0x125: {  	v35 =	vadd.f32 v4, v35;
	v53 =	vmul.f32 v54, v46;
	v36 =	vadd.f32 v14, v36  }
0x126: {  	v31 =	vadd.f32 v52, v32;
	v33 =	vadd.f32 v43, v33;
	v43 =	vmul.f32 v8, v52  }
0x127: {  	s21 =	sadd.s32 $0x200, s21;
	v30 =	vmul.f32 v46, v30;
	v35 =	vadd.f32 v3, v35;
	v36 =	vadd.f32 v9, v36  }
0x128: {  	v6 =	vmul.f32 v45, v15  }
0x129: {  	v8 =	vadd.f32 v19, v31;
	v61 =	vmul.f32 v46, v29;
	v28 =	vmul.f32 v44, v41  }
0x12a: {  	v62 =	vadd.f32 v46, v37;
	v17 =	vmul.f32 v17, v50;
	v37 =	vmul.f32 v26, v40  }
0x12b: {  	v10 =	vadd.f32 v43, v33;
	v12 =	vmul.f32 v12, v49;
	v4 =	vmul.f32 v4, v21  }
0x12c: {  	v43 =	vmul.f32 v7, v27;
	v44 =	vmul.f32 $4.999999890e-03, v25;
	v18 =	vadd.f32 v0, v35  }
0x12d: {  	v46 =	vmul.f32 $5.025125570e-03, v24;
	v16 =	vadd.f32 v16, v36;
	v63 =	vadd.f32 v30, v38  }
0x12e: {  	v3 =	vmul.f32 v3, v14;
	v6 =	vadd.f32 v6, v34;
	v19 =	vadd.f32 v54, v62  }
0x12f: {  	v33 =	vmul.f32 v54, v30;
	v15 =	vadd.f32 v61, v39;
	v29 =	vadd.f32 v53, v63  }
0x130: {  	v34 =	vmul.f32 v42, v51;
	v6 =	vadd.f32 v28, v6;
	v19 =	vadd.f32 v48, v19  }
0x131: {  	v35 =	vmul.f32 v48, v53;
	v15 =	vadd.f32 v33, v15;
	v36 =	vadd.f32 v40, v29  }
0x132: {  	v50 =	vmul.f32 v1, v13;
	v6 =	vadd.f32 v34, v6;
	v38 =	vadd.f32 v26, v19  }
0x133: {  	s19 =	smul.u32 $0x300, s19;
	v52 =	vmul.f32 v0, v9;
	v15 =	vadd.f32 v35, v15;
	v39 =	vadd.f32 v47, v36  }
0x134: {  	v59 =	vmul.f32 v20, v5;
	v6 =	vadd.f32 v17, v6;
	v41 =	vadd.f32 v11, v38  }
0x135: {  	s19 =	sshra.s32 s19, $0x2;
	v40 =	vmul.f32 v11, v47;
	v15 =	vadd.f32 v37, v15;
	v42 =	vadd.f32 v27, v39  }
0x136: {  	v51 =	vmul.f32 $4.999999890e-03, v22;
	[tilespmem:s19+$0xCC00] =	vst v44;
	v6 =	vadd.f32 v12, v6;
	v45 =	vadd.f32 v7, v41  }
0x137: {  	v56 =	vmul.f32 $5.050505050e-03, v10;
	[tilespmem:s19+$0xCC40] =	vst v46;
	v15 =	vadd.f32 v40, v15;
	v47 =	vadd.f32 v13, v42  }
0x138: {  	v53 =	vmul.f32 $5.025125570e-03, v8;
	[tilespmem:s19+$0xCC10] =	vst v51;
	v4 =	vadd.f32 v4, v6;
	v54 =	vadd.f32 v1, v45  }
0x139: {  	v58 =	vmul.f32 $4.999999890e-03, v18;
	[tilespmem:s19+$0xCC90] =	vst v56;
	v49 =	vadd.f32 v43, v15;
	v55 =	vadd.f32 v5, v47  }
0x13a: {  	v60 =	vmul.f32 $5.025125570e-03, v16;
	[tilespmem:s19+$0xCC50] =	vst v53;
	v3 =	vadd.f32 v3, v4;
	v1 =	vadd.f32 v20, v54  }
0x13b: {  	s18 =	sadd.s32 $0x1, s18;
	v48 =	vmul.f32 $5.050505050e-03, v23;
	[tilespmem:s19+$0xCC20] =	vst v58;
	v57 =	vadd.f32 v50, v49;
	v2 =	vadd.f32 v2, v55  }
0x13c: {  	p0 =	sne.s32 s18, $0x40;
	[tilespmem:s19+$0xCC60] =	vst v60;
	v0 =	vadd.f32 v52, v3;
	v1 =	vmul.f32 $4.999999890e-03, v1  }
.Ltmp2:
0x13d: {  	[tilespmem:s19+$0xCC80] =	vst v48;
	v61 =	vadd.f32 v59, v57;
	v62 =	vmul.f32 $5.025125570e-03, v2;
	(pc) =	sbr.rel @p0 .LBB2_2-.Ltmp2, $4  }
0x13e: {  	v0 =	vmul.f32 $5.050505050e-03, v0;
	[tilespmem:s19+$0xCC30] =	vst v1  }
0x13f: {  	v63 =	vmul.f32 $5.050505050e-03, v61;
	[tilespmem:s19+$0xCC70] =	vst v62  }
0x140: {  	[tilespmem:s19+$0xCCA0] =	vst v0  }
0x141: {  	[tilespmem:s19+$0xCCB0] =	vst v63  }
0x142: {  	s17 =	sadd.s32 $0x1, s17  }
0x143: {  	p0 =	sne.s32 s17, s6  }
.Ltmp3:
0x144: {  	_ = 	snop;
	(pc) =	sbr.rel @p0 .LBB2_1-.Ltmp3, $4  }
0x145: {  	[hbm4b:s5+s2] =	stream.linear.scatter [tilespmem:s16], [sflag:$0x3], $0x6000, $0x38;
	[tilespmem:$0x12C00] =	vst v63  }
0x146: {  	_ =	swait.ge [sflag:s7], $0x6000  }
0x147: {  	[sflag:s7] =	ssyncset.done $0x0  }
0x148: {  	[sflag:s7] =	ssyncadd.s32 $0xFFFFA000  }
0x149: {  	_ =	sfence.sel $0x180000  }
0x14a: {  	[bflag:$0x0] =	sbarrier.arrive $0xFFFF  }
0x14b: {  	p0 =	sne.s32 s0, $0x0;
	_ =	strace $0x90000047  }
0x14c: {  	s0 =	sadd.s32 @!p0 $0x100000, s1;
	[bflag:$0x2] =	sbarrier.arrive $0xFFFF  }
0x14d: {  	[sflag:s0] =	ssyncadd.tile.s32 @!p0 $0x1;
	_ =	shalt  }
.Lfunc_end2:
_tile_overlayer_lowered:
.L_overlay_start_2:
0x14e: {  	(tag) =	ssettag $0x2  }
0x14f: {  	s0 =	rddreg [dreg:$0x0];
	s2 =	stileid.u32  }
0x150: {  	s1 =	rddreg [dreg:$0x1];
	p0 =	sne.s32 s2, $0x0  }
0x151: {  	s3 =	rddreg [dreg:$0x2];
	[bflag:$0x3] =	sbarrier.arrive $0xFFFF;
	s2 =	simm.s32 @!p0 $0x1C03  }
0x152: {  	[timem:s3], [sflag:s2] =	dma.local @!p0 [hbm:s0], s1  }
0x153: {  	s0 =	simm.s32 @!p0 $0x3  }
0x154: {  	_ =	swait.ge @!p0 [sflag:s0], s1  }
0x155: {  	s1 =	ssub.s32 @!p0 $0x0, s1;
	[sflag:s0] =	ssyncset.done @!p0 $0x0  }
0x156: {  	[sflag:s0] =	ssyncadd.s32 @!p0 s1  }
0x157: {  	[bflag:$0x3] =	sbarrier.arrive $0xFFFF  }
0x158: {  	_ =	shalt  }

</sc_bundles>
